<compile_context>
chip_gen: v7x
topology: tpu7x:2x2x1
jax: 0.10.2.dev20260603
libtpu: 0.0.44.dev20260713+nightly
codegen_flags: <defaults>
</compile_context>

<pallas_src>
import functools

import jax
import jax.numpy as jnp
import numpy as np
from jax.experimental import pallas as pl
from jax.experimental.pallas import tpu as pltpu, tpu_sc as plsc

LAST_Q = 64
V_TOPK = 256
S_TOPK = 512
BQ = 128
NEG = -1e9


def _pattern_indices(q, k):
    B, H, S, D = q.shape
    scale = 1.0 / np.sqrt(D)
    qe = q[:, :, -LAST_Q:, :]
    est = jnp.einsum('bhqd,bhkd->bhqk', qe, k) * scale
    rows = jnp.arange(S - LAST_Q, S)[:, None]
    cols = jnp.arange(S)[None, :]
    causal_e = cols <= rows
    est = jnp.where(causal_e[None, None], est, -jnp.inf)
    est = jax.nn.softmax(est, axis=-1)

    vert = est.sum(axis=2)
    _, v_idx = jax.lax.top_k(vert, V_TOPK)

    est_rev = jnp.where(causal_e[None, None], est, 0.0)[..., ::-1]
    w = S + LAST_Q
    padded = jnp.pad(est_rev, ((0, 0), (0, 0), (0, 0), (0, LAST_Q)))
    flat = padded.reshape(B, H, LAST_Q * w)[:, :, :LAST_Q * (w - 1)]
    shifted = flat.reshape(B, H, LAST_Q, w - 1)
    slash = shifted.sum(axis=2)[..., LAST_Q - 1:LAST_Q - 1 + S]
    _, s_idx = jax.lax.top_k(slash, S_TOPK)
    return v_idx, s_idx


def _sc_bias_build(idx_all, S):
    nrows, ntop = idx_all.shape
    mesh = plsc.VectorSubcoreMesh(core_axis_name="c", subcore_axis_name="s")

    @functools.partial(
        pl.kernel, mesh=mesh,
        out_type=jax.ShapeDtypeStruct((nrows * S,), jnp.float32),
        scratch_types=[
            pltpu.VMEM((ntop,), jnp.int32),
            pltpu.VMEM((S,), jnp.float32),
            pltpu.VMEM((ntop,), jnp.float32),
        ],
    )
    def sc_k(idx_hbm, out_hbm, idx_v, row_v, zero_v):
        wid = jax.lax.axis_index("s") * 2 + jax.lax.axis_index("c")
        pltpu.sync_copy(idx_hbm.at[pl.ds(wid * ntop, ntop)], idx_v)
        neg = jnp.full((16,), NEG, jnp.float32)
        zero = jnp.zeros((16,), jnp.float32)
        for t in range(S // 16):
            row_v[pl.ds(t * 16, 16)] = neg
        for t in range(ntop // 16):
            zero_v[pl.ds(t * 16, 16)] = zero
            iv = idx_v[pl.ds(t * 16, 16)]
            idx_v[pl.ds(t * 16, 16)] = iv + wid * S
        pltpu.sync_copy(row_v, out_hbm.at[pl.ds(wid * S, S)])
        pltpu.sync_copy(zero_v, out_hbm.at[idx_v])

    return sc_k(idx_all.reshape(-1)).reshape(nrows, S)


def _attn_body(prev_ref, q_ref, k_ref, v_ref, vb_ref, u_ref, mv_ref, qm_ref,
               o_ref, *, scale, nt, i0):
    i = i0 + pl.program_id(1)
    SK = k_ref.shape[1]
    qb = (q_ref[0] * scale).astype(jnp.bfloat16)
    kb = k_ref[0]
    s = jax.lax.dot_general(qb, kb, (((1,), (1,)), ((), ())),
                            preferred_element_type=jnp.float32)
    uq = u_ref[0, :, pl.ds((nt - 1 - i) * BQ, SK)]
    bias = jnp.maximum(uq, vb_ref[0])
    row_id = i * BQ + jax.lax.broadcasted_iota(jnp.int32, (BQ, SK), 0)
    col_id = jax.lax.broadcasted_iota(jnp.int32, (BQ, SK), 1)
    sm = jnp.where(col_id <= row_id, s + bias, NEG)
    m = jnp.max(sm, axis=1, keepdims=True)
    p = jnp.exp(sm - m)
    l = jnp.sum(p, axis=1, keepdims=True)
    pn = (p * (1.0 / l)).astype(jnp.bfloat16)
    acc = jax.lax.dot_general(pn, v_ref[0],
                              (((1,), (0,)), ((), ())),
                              preferred_element_type=jnp.float32)
    D = acc.shape[1]
    rows = i * BQ + jax.lax.broadcasted_iota(jnp.int32, (BQ, D), 0)
    o_ref[0] = jnp.where(rows < qm_ref[0], mv_ref[0], acc)


def _attn_bucket(prev, qh, kb, vb16, v_bias_r, u_q, mean_v, qmin_b, i0, ni):
    H, S, D = kb.shape
    nt = S // BQ
    sk = (i0 + ni) * BQ
    scale = 1.0 / np.sqrt(D)
    body = functools.partial(_attn_body, scale=scale, nt=nt, i0=i0)
    return pl.pallas_call(
        body,
        grid=(H, ni),
        in_specs=[
            pl.BlockSpec((1, BQ, D), lambda h, i: (h, i0 + i, 0)),
            pl.BlockSpec((1, BQ, D), lambda h, i: (h, i0 + i, 0)),
            pl.BlockSpec((1, sk, D), lambda h, i: (h, 0, 0)),
            pl.BlockSpec((1, sk, D), lambda h, i: (h, 0, 0)),
            pl.BlockSpec((1, 1, sk), lambda h, i: (h, 0, 0)),
            pl.BlockSpec((1, BQ, 2 * S), lambda h, i: (h, 0, 0)),
            pl.BlockSpec((1, 1, D), lambda h, i: (h, 0, 0)),
            pl.BlockSpec((1, 1, D), lambda h, i: (h, 0, 0)),
        ],
        out_specs=pl.BlockSpec((1, BQ, D), lambda h, i: (h, i0 + i, 0)),
        out_shape=jax.ShapeDtypeStruct((H, S, D), jnp.float32),
        input_output_aliases={0: 0},
    )(prev, qh, kb, vb16, v_bias_r, u_q, mean_v, qmin_b)


def kernel(q, k, v):
    B, H, S, D = q.shape
    v_idx, s_idx = _pattern_indices(q, k)

    idx_all = jnp.concatenate(
        [jnp.concatenate([v_idx[0], v_idx[0]], axis=1), s_idx[0]],
        axis=0).astype(jnp.int32)
    biases = _sc_bias_build(idx_all, S)
    v_bias = biases[None, :H].astype(jnp.bfloat16)
    s_bias = biases[None, H:].astype(jnp.bfloat16)

    nt = S // BQ
    w2 = 2 * S + 2 * BQ
    neg_b = jnp.float32(NEG).astype(jnp.bfloat16)
    h_vec = jnp.concatenate(
        [s_bias[0][:, ::-1], jnp.full((H, w2 - S), neg_b, s_bias.dtype)], axis=1)
    m_all = jnp.broadcast_to(h_vec[:, None, :], (H, BQ, w2))
    skew = (m_all.reshape(H, BQ * w2)[:, :BQ * (w2 - 1)]
            .reshape(H, BQ, w2 - 1))
    u_q = skew[:, :, BQ - 1:BQ - 1 + 2 * S]

    qh = q[0]
    kb = k[0].astype(jnp.bfloat16)
    vb16 = v[0].astype(jnp.bfloat16)
    vbr = v_bias[0][:, None, :]
    qmin = jnp.minimum(v_idx.min(-1), s_idx.min(-1))
    qmin_b = jnp.broadcast_to(
        qmin[0].astype(jnp.int32)[:, None, None], (H, 1, D))
    mean_v = jnp.mean(v[0], axis=1, keepdims=True)

    out = jnp.zeros((H, S, D), jnp.float32)
    for i0, ni in ((0, 8), (8, 8)):
        out = _attn_bucket(out, qh, kb, vb16, vbr, u_q, mean_v, qmin_b, i0, ni)
    return out[None]

# --- scband reference (transcript-rebuilt; emitter-appended) ---
"""Pipeline reference for scband-minfer-model-12275016532524 (READ-ONLY COPY).

The authoritative reference and input builder live on the scoring server;
editing this copy changes nothing except your own understanding.
"""

import jax, jax.numpy as jnp
import numpy as np

B, H, S, D = 1, 16, 2048, 128
LAST_Q = 64      # number of trailing queries used to estimate the sparse pattern
V_TOPK = 256     # top vertical columns kept
S_TOPK = 512     # top slash diagonals kept


def setup_inputs(seed: int = 0) -> dict:
    key = jax.random.key(seed)
    k1, k2, k3 = jax.random.split(key, 3)
    q = jax.random.normal(k1, (B, H, S, D), dtype=jnp.float32)
    k = jax.random.normal(k2, (B, H, S, D), dtype=jnp.float32)
    v = jax.random.normal(k3, (B, H, S, D), dtype=jnp.float32)
    return {"q": q, "k": k, "v": v}


def _vertical_slash_mask(q, k):
    # MInference-style pattern estimation using the last LAST_Q queries.
    scale = 1.0 / np.sqrt(D)
    qe = q[:, :, -LAST_Q:, :]                              # [B,H,LQ,D]
    est = jnp.einsum('bhqd,bhkd->bhqk', qe, k) * scale    # [B,H,LQ,S]
    rows = jnp.arange(S - LAST_Q, S)[:, None]              # [LQ,1]
    cols = jnp.arange(S)[None, :]                          # [1,S]
    causal_e = cols <= rows                                # [LQ,S]
    est = jnp.where(causal_e[None, None], est, -jnp.inf)
    est = jax.nn.softmax(est, axis=-1)                     # [B,H,LQ,S]

    # Vertical scores: total attention mass per key column.
    vert = est.sum(axis=2)                                 # [B,H,S]
    _, v_idx = jax.lax.top_k(vert, V_TOPK)                 # [B,H,V_TOPK]
    v_mask = jax.nn.one_hot(v_idx, S, dtype=jnp.float32).sum(axis=2) > 0  # [B,H,S]

    # Slash scores: attention mass per diagonal distance (row - col).
    dist = rows - cols                                     # [LQ,S]
    dist_c = jnp.clip(dist, 0, S - 1)
    contrib = jnp.where(causal_e[None, None], est, 0.0)
    slash = jnp.zeros((B, H, S), dtype=jnp.float32).at[..., dist_c].add(contrib)  # [B,H,S]
    _, s_idx = jax.lax.top_k(slash, S_TOPK)
    s_vec = jax.nn.one_hot(s_idx, S, dtype=jnp.float32).sum(axis=2) > 0  # [B,H,S] over distances

    i = jnp.arange(S)[:, None]
    j = jnp.arange(S)[None, :]
    causal = j <= i                                        # [S,S]
    d_full = jnp.clip(i - j, 0, S - 1)                     # [S,S]
    mask = causal[None, None] & (v_mask[:, :, None, :] | s_vec[:, :, d_full])  # [B,H,S,S]
    return mask


def reference(q, k, v):
    mask = _vertical_slash_mask(q, k)
    scale = 1.0 / np.sqrt(D)
    scores = jnp.einsum('bhqd,bhkd->bhqk', q, k) * scale   # [B,H,S,S]
    scores = jnp.where(mask, scores, jnp.float32(-1e9))
    attn = jax.nn.softmax(scores, axis=-1)
    out = jnp.einsum('bhqk,bhkd->bhqd', attn, v)           # [B,H,S,D]
    return out

if __name__ == "__main__":
    import jax
    _d = setup_inputs()
    print(jax.jit(kernel)(*tuple(_d.values())))

</pallas_src>

<mosaic_0001>
#map = affine_map<(d0, d1) -> (0)>
module attributes {stable_mosaic.version = 14 : i64} {
  func.func @sc_k(%arg0: i32, %arg1: i32, %arg2: memref<16384xi32, #tpu.memory_space<hbm>>, %arg3: memref<65536xf32, #tpu.memory_space<hbm>>, %arg4: memref<512xi32, #tpu.memory_space<vmem>>, %arg5: memref<2048xf32, #tpu.memory_space<vmem>>, %arg6: memref<512xf32, #tpu.memory_space<vmem>>) attributes {dimension_semantics = [#tpu.dimension_semantics<core_parallel>, #tpu.dimension_semantics<subcore_parallel>], iteration_bounds = array<i64: 2, 16>, scalar_prefetch = 0 : i64, scratch_operands = 3 : i64, tpu.core_type = #tpu.core_type<sc_vector_subcore>, window_params = [{transform_indices = #map}, {transform_indices = #map}]} {
    %mul3A = arith.constant 2 : i32
    %mul3A_0 = arith.muli %arg1, %mul3A : i32
    %add3A = arith.addi %mul3A_0, %arg0 : i32
    %mul3A_1 = arith.constant 512 : i32
    %mul3A_2 = arith.muli %add3A, %mul3A_1 : i32
    "tpu.region"() ({
      %run_scoped3A = tpu.sem_alloc : memref<!tpu.dma_semaphore, #tpu.memory_space<semaphore_mem>>
      %dma_start3A = tpu.memref_slice %arg2[%mul3A_2] : memref<16384xi32, #tpu.memory_space<hbm>> -> memref<512xi32, #tpu.memory_space<hbm>>
      %dma_start3A_998 = tpu.memref_slice %arg2[%mul3A_2] : memref<16384xi32, #tpu.memory_space<hbm>> -> memref<512xi32, #tpu.memory_space<hbm>>
      tpu.enqueue_dma source(%dma_start3A_998 : memref<512xi32, #tpu.memory_space<hbm>>) target(%arg4 : memref<512xi32, #tpu.memory_space<vmem>>) target_semaphore(%run_scoped3A : memref<!tpu.dma_semaphore, #tpu.memory_space<semaphore_mem>>)
      %dma_wait3A = tpu.memref_slice %arg2[%mul3A_2] : memref<16384xi32, #tpu.memory_space<hbm>> -> memref<512xi32, #tpu.memory_space<hbm>>
      %dma_wait3A_999 = tpu.memref_slice %arg2[%mul3A_2] : memref<16384xi32, #tpu.memory_space<hbm>> -> memref<512xi32, #tpu.memory_space<hbm>>
      tpu.wait_dma2 semaphore(%run_scoped3A : memref<!tpu.dma_semaphore, #tpu.memory_space<semaphore_mem>>) src(%dma_wait3A_999 : memref<512xi32, #tpu.memory_space<hbm>>) dst(%arg4 : memref<512xi32, #tpu.memory_space<vmem>>)
      tpu.yield
    }) : () -> ()
    %broadcast_in_dim3A = arith.constant -1.000000e+09 : f32
    %broadcast_in_dim3A_3 = vector.broadcast %broadcast_in_dim3A : f32 to vector<16xf32>
    %broadcast_in_dim3A_4 = arith.constant 0.000000e+00 : f32
    %broadcast_in_dim3A_5 = vector.broadcast %broadcast_in_dim3A_4 : f32 to vector<16xf32>
    %swap3A = arith.constant 0 : index
    %swap3A_6 = tpu.vector_load %arg5[%swap3A] {strides = array<i32>} : memref<2048xf32, #tpu.memory_space<vmem>>, vector<16xf32>,
    %swap3A_7 = vector.shape_cast %swap3A_6 : vector<16xf32> to vector<16xf32>
    %swap3A_8 = vector.shape_cast %broadcast_in_dim3A_3 : vector<16xf32> to vector<16xf32>
    tpu.vector_store %arg5[%swap3A], %swap3A_8 {strides = array<i32>} : memref<2048xf32, #tpu.memory_space<vmem>>, vector<16xf32>,
    %swap3A_9 = arith.constant 16 : index
    %swap3A_10 = tpu.vector_load %arg5[%swap3A_9] {strides = array<i32>} : memref<2048xf32, #tpu.memory_space<vmem>>, vector<16xf32>,
    %swap3A_11 = vector.shape_cast %swap3A_10 : vector<16xf32> to vector<16xf32>
    %swap3A_12 = vector.shape_cast %broadcast_in_dim3A_3 : vector<16xf32> to vector<16xf32>
    tpu.vector_store %arg5[%swap3A_9], %swap3A_12 {strides = array<i32>} : memref<2048xf32, #tpu.memory_space<vmem>>, vector<16xf32>,
    %swap3A_13 = arith.constant 32 : index
    %swap3A_14 = tpu.vector_load %arg5[%swap3A_13] {strides = array<i32>} : memref<2048xf32, #tpu.memory_space<vmem>>, vector<16xf32>,
    %swap3A_15 = vector.shape_cast %swap3A_14 : vector<16xf32> to vector<16xf32>
    %swap3A_16 = vector.shape_cast %broadcast_in_dim3A_3 : vector<16xf32> to vector<16xf32>
    tpu.vector_store %arg5[%swap3A_13], %swap3A_16 {strides = array<i32>} : memref<2048xf32, #tpu.memory_space<vmem>>, vector<16xf32>,
    %swap3A_17 = arith.constant 48 : index
    %swap3A_18 = tpu.vector_load %arg5[%swap3A_17] {strides = array<i32>} : memref<2048xf32, #tpu.memory_space<vmem>>, vector<16xf32>,
    %swap3A_19 = vector.shape_cast %swap3A_18 : vector<16xf32> to vector<16xf32>
    %swap3A_20 = vector.shape_cast %broadcast_in_dim3A_3 : vector<16xf32> to vector<16xf32>
    tpu.vector_store %arg5[%swap3A_17], %swap3A_20 {strides = array<i32>} : memref<2048xf32, #tpu.memory_space<vmem>>, vector<16xf32>,
    %swap3A_21 = arith.constant 64 : index
    %swap3A_22 = tpu.vector_load %arg5[%swap3A_21] {strides = array<i32>} : memref<2048xf32, #tpu.memory_space<vmem>>, vector<16xf32>,
    %swap3A_23 = vector.shape_cast %swap3A_22 : vector<16xf32> to vector<16xf32>
    %swap3A_24 = vector.shape_cast %broadcast_in_dim3A_3 : vector<16xf32> to vector<16xf32>
    tpu.vector_store %arg5[%swap3A_21], %swap3A_24 {strides = array<i32>} : memref<2048xf32, #tpu.memory_space<vmem>>, vector<16xf32>,
    %swap3A_25 = arith.constant 80 : index
    %swap3A_26 = tpu.vector_load %arg5[%swap3A_25] {strides = array<i32>} : memref<2048xf32, #tpu.memory_space<vmem>>, vector<16xf32>,
    %swap3A_27 = vector.shape_cast %swap3A_26 : vector<16xf32> to vector<16xf32>
    %swap3A_28 = vector.shape_cast %broadcast_in_dim3A_3 : vector<16xf32> to vector<16xf32>
    tpu.vector_store %arg5[%swap3A_25], %swap3A_28 {strides = array<i32>} : memref<2048xf32, #tpu.memory_space<vmem>>, vector<16xf32>,
    %swap3A_29 = arith.constant 96 : index
    %swap3A_30 = tpu.vector_load %arg5[%swap3A_29] {strides = array<i32>} : memref<2048xf32, #tpu.memory_space<vmem>>, vector<16xf32>,
    %swap3A_31 = vector.shape_cast %swap3A_30 : vector<16xf32> to vector<16xf32>
    %swap3A_32 = vector.shape_cast %broadcast_in_dim3A_3 : vector<16xf32> to vector<16xf32>
    tpu.vector_store %arg5[%swap3A_29], %swap3A_32 {strides = array<i32>} : memref<2048xf32, #tpu.memory_space<vmem>>, vector<16xf32>,
    %swap3A_33 = arith.constant 112 : index
    %swap3A_34 = tpu.vector_load %arg5[%swap3A_33] {strides = array<i32>} : memref<2048xf32, #tpu.memory_space<vmem>>, vector<16xf32>,
    %swap3A_35 = vector.shape_cast %swap3A_34 : vector<16xf32> to vector<16xf32>
    %swap3A_36 = vector.shape_cast %broadcast_in_dim3A_3 : vector<16xf32> to vector<16xf32>
    tpu.vector_store %arg5[%swap3A_33], %swap3A_36 {strides = array<i32>} : memref<2048xf32, #tpu.memory_space<vmem>>, vector<16xf32>,
    %swap3A_37 = arith.constant 128 : index
    %swap3A_38 = tpu.vector_load %arg5[%swap3A_37] {strides = array<i32>} : memref<2048xf32, #tpu.memory_space<vmem>>, vector<16xf32>,
    %swap3A_39 = vector.shape_cast %swap3A_38 : vector<16xf32> to vector<16xf32>
    %swap3A_40 = vector.shape_cast %broadcast_in_dim3A_3 : vector<16xf32> to vector<16xf32>
    tpu.vector_store %arg5[%swap3A_37], %swap3A_40 {strides = array<i32>} : memref<2048xf32, #tpu.memory_space<vmem>>, vector<16xf32>,
    %swap3A_41 = arith.constant 144 : index
    %swap3A_42 = tpu.vector_load %arg5[%swap3A_41] {strides = array<i32>} : memref<2048xf32, #tpu.memory_space<vmem>>, vector<16xf32>,
    %swap3A_43 = vector.shape_cast %swap3A_42 : vector<16xf32> to vector<16xf32>
    %swap3A_44 = vector.shape_cast %broadcast_in_dim3A_3 : vector<16xf32> to vector<16xf32>
    tpu.vector_store %arg5[%swap3A_41], %swap3A_44 {strides = array<i32>} : memref<2048xf32, #tpu.memory_space<vmem>>, vector<16xf32>,
    %swap3A_45 = arith.constant 160 : index
    %swap3A_46 = tpu.vector_load %arg5[%swap3A_45] {strides = array<i32>} : memref<2048xf32, #tpu.memory_space<vmem>>, vector<16xf32>,
    %swap3A_47 = vector.shape_cast %swap3A_46 : vector<16xf32> to vector<16xf32>
    %swap3A_48 = vector.shape_cast %broadcast_in_dim3A_3 : vector<16xf32> to vector<16xf32>
    tpu.vector_store %arg5[%swap3A_45], %swap3A_48 {strides = array<i32>} : memref<2048xf32, #tpu.memory_space<vmem>>, vector<16xf32>,
    %swap3A_49 = arith.constant 176 : index
    %swap3A_50 = tpu.vector_load %arg5[%swap3A_49] {strides = array<i32>} : memref<2048xf32, #tpu.memory_space<vmem>>, vector<16xf32>,
    %swap3A_51 = vector.shape_cast %swap3A_50 : vector<16xf32> to vector<16xf32>
    %swap3A_52 = vector.shape_cast %broadcast_in_dim3A_3 : vector<16xf32> to vector<16xf32>
    tpu.vector_store %arg5[%swap3A_49], %swap3A_52 {strides = array<i32>} : memref<2048xf32, #tpu.memory_space<vmem>>, vector<16xf32>,
    %swap3A_53 = arith.constant 192 : index
    %swap3A_54 = tpu.vector_load %arg5[%swap3A_53] {strides = array<i32>} : memref<2048xf32, #tpu.memory_space<vmem>>, vector<16xf32>,
    %swap3A_55 = vector.shape_cast %swap3A_54 : vector<16xf32> to vector<16xf32>
    %swap3A_56 = vector.shape_cast %broadcast_in_dim3A_3 : vector<16xf32> to vector<16xf32>
    tpu.vector_store %arg5[%swap3A_53], %swap3A_56 {strides = array<i32>} : memref<2048xf32, #tpu.memory_space<vmem>>, vector<16xf32>,
    %swap3A_57 = arith.constant 208 : index
    %swap3A_58 = tpu.vector_load %arg5[%swap3A_57] {strides = array<i32>} : memref<2048xf32, #tpu.memory_space<vmem>>, vector<16xf32>,
    %swap3A_59 = vector.shape_cast %swap3A_58 : vector<16xf32> to vector<16xf32>
    %swap3A_60 = vector.shape_cast %broadcast_in_dim3A_3 : vector<16xf32> to vector<16xf32>
    tpu.vector_store %arg5[%swap3A_57], %swap3A_60 {strides = array<i32>} : memref<2048xf32, #tpu.memory_space<vmem>>, vector<16xf32>,
    %swap3A_61 = arith.constant 224 : index
    %swap3A_62 = tpu.vector_load %arg5[%swap3A_61] {strides = array<i32>} : memref<2048xf32, #tpu.memory_space<vmem>>, vector<16xf32>,
    %swap3A_63 = vector.shape_cast %swap3A_62 : vector<16xf32> to vector<16xf32>
    %swap3A_64 = vector.shape_cast %broadcast_in_dim3A_3 : vector<16xf32> to vector<16xf32>
    tpu.vector_store %arg5[%swap3A_61], %swap3A_64 {strides = array<i32>} : memref<2048xf32, #tpu.memory_space<vmem>>, vector<16xf32>,
    %swap3A_65 = arith.constant 240 : index
    %swap3A_66 = tpu.vector_load %arg5[%swap3A_65] {strides = array<i32>} : memref<2048xf32, #tpu.memory_space<vmem>>, vector<16xf32>,
    %swap3A_67 = vector.shape_cast %swap3A_66 : vector<16xf32> to vector<16xf32>
    %swap3A_68 = vector.shape_cast %broadcast_in_dim3A_3 : vector<16xf32> to vector<16xf32>
    tpu.vector_store %arg5[%swap3A_65], %swap3A_68 {strides = array<i32>} : memref<2048xf32, #tpu.memory_space<vmem>>, vector<16xf32>,
    %swap3A_69 = arith.constant 256 : index
    %swap3A_70 = tpu.vector_load %arg5[%swap3A_69] {strides = array<i32>} : memref<2048xf32, #tpu.memory_space<vmem>>, vector<16xf32>,
    %swap3A_71 = vector.shape_cast %swap3A_70 : vector<16xf32> to vector<16xf32>
    %swap3A_72 = vector.shape_cast %broadcast_in_dim3A_3 : vector<16xf32> to vector<16xf32>
    tpu.vector_store %arg5[%swap3A_69], %swap3A_72 {strides = array<i32>} : memref<2048xf32, #tpu.memory_space<vmem>>, vector<16xf32>,
    %swap3A_73 = arith.constant 272 : index
    %swap3A_74 = tpu.vector_load %arg5[%swap3A_73] {strides = array<i32>} : memref<2048xf32, #tpu.memory_space<vmem>>, vector<16xf32>,
    %swap3A_75 = vector.shape_cast %swap3A_74 : vector<16xf32> to vector<16xf32>
    %swap3A_76 = vector.shape_cast %broadcast_in_dim3A_3 : vector<16xf32> to vector<16xf32>
    tpu.vector_store %arg5[%swap3A_73], %swap3A_76 {strides = array<i32>} : memref<2048xf32, #tpu.memory_space<vmem>>, vector<16xf32>,
    %swap3A_77 = arith.constant 288 : index
    %swap3A_78 = tpu.vector_load %arg5[%swap3A_77] {strides = array<i32>} : memref<2048xf32, #tpu.memory_space<vmem>>, vector<16xf32>,
    %swap3A_79 = vector.shape_cast %swap3A_78 : vector<16xf32> to vector<16xf32>
    %swap3A_80 = vector.shape_cast %broadcast_in_dim3A_3 : vector<16xf32> to vector<16xf32>
    tpu.vector_store %arg5[%swap3A_77], %swap3A_80 {strides = array<i32>} : memref<2048xf32, #tpu.memory_space<vmem>>, vector<16xf32>,
    %swap3A_81 = arith.constant 304 : index
    %swap3A_82 = tpu.vector_load %arg5[%swap3A_81] {strides = array<i32>} : memref<2048xf32, #tpu.memory_space<vmem>>, vector<16xf32>,
    %swap3A_83 = vector.shape_cast %swap3A_82 : vector<16xf32> to vector<16xf32>
    %swap3A_84 = vector.shape_cast %broadcast_in_dim3A_3 : vector<16xf32> to vector<16xf32>
    tpu.vector_store %arg5[%swap3A_81], %swap3A_84 {strides = array<i32>} : memref<2048xf32, #tpu.memory_space<vmem>>, vector<16xf32>,
    %swap3A_85 = arith.constant 320 : index
    %swap3A_86 = tpu.vector_load %arg5[%swap3A_85] {strides = array<i32>} : memref<2048xf32, #tpu.memory_space<vmem>>, vector<16xf32>,
    %swap3A_87 = vector.shape_cast %swap3A_86 : vector<16xf32> to vector<16xf32>
    %swap3A_88 = vector.shape_cast %broadcast_in_dim3A_3 : vector<16xf32> to vector<16xf32>
    tpu.vector_store %arg5[%swap3A_85], %swap3A_88 {strides = array<i32>} : memref<2048xf32, #tpu.memory_space<vmem>>, vector<16xf32>,
    %swap3A_89 = arith.constant 336 : index
    %swap3A_90 = tpu.vector_load %arg5[%swap3A_89] {strides = array<i32>} : memref<2048xf32, #tpu.memory_space<vmem>>, vector<16xf32>,
    %swap3A_91 = vector.shape_cast %swap3A_90 : vector<16xf32> to vector<16xf32>
    %swap3A_92 = vector.shape_cast %broadcast_in_dim3A_3 : vector<16xf32> to vector<16xf32>
    tpu.vector_store %arg5[%swap3A_89], %swap3A_92 {strides = array<i32>} : memref<2048xf32, #tpu.memory_space<vmem>>, vector<16xf32>,
    %swap3A_93 = arith.constant 352 : index
    %swap3A_94 = tpu.vector_load %arg5[%swap3A_93] {strides = array<i32>} : memref<2048xf32, #tpu.memory_space<vmem>>, vector<16xf32>,
    %swap3A_95 = vector.shape_cast %swap3A_94 : vector<16xf32> to vector<16xf32>
    %swap3A_96 = vector.shape_cast %broadcast_in_dim3A_3 : vector<16xf32> to vector<16xf32>
    tpu.vector_store %arg5[%swap3A_93], %swap3A_96 {strides = array<i32>} : memref<2048xf32, #tpu.memory_space<vmem>>, vector<16xf32>,
    %swap3A_97 = arith.constant 368 : index
    %swap3A_98 = tpu.vector_load %arg5[%swap3A_97] {strides = array<i32>} : memref<2048xf32, #tpu.memory_space<vmem>>, vector<16xf32>,
    %swap3A_99 = vector.shape_cast %swap3A_98 : vector<16xf32> to vector<16xf32>
    %swap3A_100 = vector.shape_cast %broadcast_in_dim3A_3 : vector<16xf32> to vector<16xf32>
    tpu.vector_store %arg5[%swap3A_97], %swap3A_100 {strides = array<i32>} : memref<2048xf32, #tpu.memory_space<vmem>>, vector<16xf32>,
    %swap3A_101 = arith.constant 384 : index
    %swap3A_102 = tpu.vector_load %arg5[%swap3A_101] {strides = array<i32>} : memref<2048xf32, #tpu.memory_space<vmem>>, vector<16xf32>,
    %swap3A_103 = vector.shape_cast %swap3A_102 : vector<16xf32> to vector<16xf32>
    %swap3A_104 = vector.shape_cast %broadcast_in_dim3A_3 : vector<16xf32> to vector<16xf32>
    tpu.vector_store %arg5[%swap3A_101], %swap3A_104 {strides = array<i32>} : memref<2048xf32, #tpu.memory_space<vmem>>, vector<16xf32>,
    %swap3A_105 = arith.constant 400 : index
    %swap3A_106 = tpu.vector_load %arg5[%swap3A_105] {strides = array<i32>} : memref<2048xf32, #tpu.memory_space<vmem>>, vector<16xf32>,
    %swap3A_107 = vector.shape_cast %swap3A_106 : vector<16xf32> to vector<16xf32>
    %swap3A_108 = vector.shape_cast %broadcast_in_dim3A_3 : vector<16xf32> to vector<16xf32>
    tpu.vector_store %arg5[%swap3A_105], %swap3A_108 {strides = array<i32>} : memref<2048xf32, #tpu.memory_space<vmem>>, vector<16xf32>,
    %swap3A_109 = arith.constant 416 : index
    %swap3A_110 = tpu.vector_load %arg5[%swap3A_109] {strides = array<i32>} : memref<2048xf32, #tpu.memory_space<vmem>>, vector<16xf32>,
    %swap3A_111 = vector.shape_cast %swap3A_110 : vector<16xf32> to vector<16xf32>
    %swap3A_112 = vector.shape_cast %broadcast_in_dim3A_3 : vector<16xf32> to vector<16xf32>
    tpu.vector_store %arg5[%swap3A_109], %swap3A_112 {strides = array<i32>} : memref<2048xf32, #tpu.memory_space<vmem>>, vector<16xf32>,
    %swap3A_113 = arith.constant 432 : index
    %swap3A_114 = tpu.vector_load %arg5[%swap3A_113] {strides = array<i32>} : memref<2048xf32, #tpu.memory_space<vmem>>, vector<16xf32>,
    %swap3A_115 = vector.shape_cast %swap3A_114 : vector<16xf32> to vector<16xf32>
    %swap3A_116 = vector.shape_cast %broadcast_in_dim3A_3 : vector<16xf32> to vector<16xf32>
    tpu.vector_store %arg5[%swap3A_113], %swap3A_116 {strides = array<i32>} : memref<2048xf32, #tpu.memory_space<vmem>>, vector<16xf32>,
    %swap3A_117 = arith.constant 448 : index
    %swap3A_118 = tpu.vector_load %arg5[%swap3A_117] {strides = array<i32>} : memref<2048xf32, #tpu.memory_space<vmem>>, vector<16xf32>,
    %swap3A_119 = vector.shape_cast %swap3A_118 : vector<16xf32> to vector<16xf32>
    %swap3A_120 = vector.shape_cast %broadcast_in_dim3A_3 : vector<16xf32> to vector<16xf32>
    tpu.vector_store %arg5[%swap3A_117], %swap3A_120 {strides = array<i32>} : memref<2048xf32, #tpu.memory_space<vmem>>, vector<16xf32>,
    %swap3A_121 = arith.constant 464 : index
    %swap3A_122 = tpu.vector_load %arg5[%swap3A_121] {strides = array<i32>} : memref<2048xf32, #tpu.memory_space<vmem>>, vector<16xf32>,
    %swap3A_123 = vector.shape_cast %swap3A_122 : vector<16xf32> to vector<16xf32>
    %swap3A_124 = vector.shape_cast %broadcast_in_dim3A_3 : vector<16xf32> to vector<16xf32>
    tpu.vector_store %arg5[%swap3A_121], %swap3A_124 {strides = array<i32>} : memref<2048xf32, #tpu.memory_space<vmem>>, vector<16xf32>,
    %swap3A_125 = arith.constant 480 : index
    %swap3A_126 = tpu.vector_load %arg5[%swap3A_125] {strides = array<i32>} : memref<2048xf32, #tpu.memory_space<vmem>>, vector<16xf32>,
    %swap3A_127 = vector.shape_cast %swap3A_126 : vector<16xf32> to vector<16xf32>
    %swap3A_128 = vector.shape_cast %broadcast_in_dim3A_3 : vector<16xf32> to vector<16xf32>
    tpu.vector_store %arg5[%swap3A_125], %swap3A_128 {strides = array<i32>} : memref<2048xf32, #tpu.memory_space<vmem>>, vector<16xf32>,
    %swap3A_129 = arith.constant 496 : index
    %swap3A_130 = tpu.vector_load %arg5[%swap3A_129] {strides = array<i32>} : memref<2048xf32, #tpu.memory_space<vmem>>, vector<16xf32>,
    %swap3A_131 = vector.shape_cast %swap3A_130 : vector<16xf32> to vector<16xf32>
    %swap3A_132 = vector.shape_cast %broadcast_in_dim3A_3 : vector<16xf32> to vector<16xf32>
    tpu.vector_store %arg5[%swap3A_129], %swap3A_132 {strides = array<i32>} : memref<2048xf32, #tpu.memory_space<vmem>>, vector<16xf32>,
    %swap3A_133 = arith.constant 512 : index
    %swap3A_134 = tpu.vector_load %arg5[%swap3A_133] {strides = array<i32>} : memref<2048xf32, #tpu.memory_space<vmem>>, vector<16xf32>,
    %swap3A_135 = vector.shape_cast %swap3A_134 : vector<16xf32> to vector<16xf32>
    %swap3A_136 = vector.shape_cast %broadcast_in_dim3A_3 : vector<16xf32> to vector<16xf32>
    tpu.vector_store %arg5[%swap3A_133], %swap3A_136 {strides = array<i32>} : memref<2048xf32, #tpu.memory_space<vmem>>, vector<16xf32>,
    %swap3A_137 = arith.constant 528 : index
    %swap3A_138 = tpu.vector_load %arg5[%swap3A_137] {strides = array<i32>} : memref<2048xf32, #tpu.memory_space<vmem>>, vector<16xf32>,
    %swap3A_139 = vector.shape_cast %swap3A_138 : vector<16xf32> to vector<16xf32>
    %swap3A_140 = vector.shape_cast %broadcast_in_dim3A_3 : vector<16xf32> to vector<16xf32>
    tpu.vector_store %arg5[%swap3A_137], %swap3A_140 {strides = array<i32>} : memref<2048xf32, #tpu.memory_space<vmem>>, vector<16xf32>,
    %swap3A_141 = arith.constant 544 : index
    %swap3A_142 = tpu.vector_load %arg5[%swap3A_141] {strides = array<i32>} : memref<2048xf32, #tpu.memory_space<vmem>>, vector<16xf32>,
    %swap3A_143 = vector.shape_cast %swap3A_142 : vector<16xf32> to vector<16xf32>
    %swap3A_144 = vector.shape_cast %broadcast_in_dim3A_3 : vector<16xf32> to vector<16xf32>
    tpu.vector_store %arg5[%swap3A_141], %swap3A_144 {strides = array<i32>} : memref<2048xf32, #tpu.memory_space<vmem>>, vector<16xf32>,
    %swap3A_145 = arith.constant 560 : index
    %swap3A_146 = tpu.vector_load %arg5[%swap3A_145] {strides = array<i32>} : memref<2048xf32, #tpu.memory_space<vmem>>, vector<16xf32>,
    %swap3A_147 = vector.shape_cast %swap3A_146 : vector<16xf32> to vector<16xf32>
    %swap3A_148 = vector.shape_cast %broadcast_in_dim3A_3 : vector<16xf32> to vector<16xf32>
    tpu.vector_store %arg5[%swap3A_145], %swap3A_148 {strides = array<i32>} : memref<2048xf32, #tpu.memory_space<vmem>>, vector<16xf32>,
    %swap3A_149 = arith.constant 576 : index
    %swap3A_150 = tpu.vector_load %arg5[%swap3A_149] {strides = array<i32>} : memref<2048xf32, #tpu.memory_space<vmem>>, vector<16xf32>,
    %swap3A_151 = vector.shape_cast %swap3A_150 : vector<16xf32> to vector<16xf32>
    %swap3A_152 = vector.shape_cast %broadcast_in_dim3A_3 : vector<16xf32> to vector<16xf32>
    tpu.vector_store %arg5[%swap3A_149], %swap3A_152 {strides = array<i32>} : memref<2048xf32, #tpu.memory_space<vmem>>, vector<16xf32>,
    %swap3A_153 = arith.constant 592 : index
    %swap3A_154 = tpu.vector_load %arg5[%swap3A_153] {strides = array<i32>} : memref<2048xf32, #tpu.memory_space<vmem>>, vector<16xf32>,
    %swap3A_155 = vector.shape_cast %swap3A_154 : vector<16xf32> to vector<16xf32>
    %swap3A_156 = vector.shape_cast %broadcast_in_dim3A_3 : vector<16xf32> to vector<16xf32>
    tpu.vector_store %arg5[%swap3A_153], %swap3A_156 {strides = array<i32>} : memref<2048xf32, #tpu.memory_space<vmem>>, vector<16xf32>,
    %swap3A_157 = arith.constant 608 : index
    %swap3A_158 = tpu.vector_load %arg5[%swap3A_157] {strides = array<i32>} : memref<2048xf32, #tpu.memory_space<vmem>>, vector<16xf32>,
    %swap3A_159 = vector.shape_cast %swap3A_158 : vector<16xf32> to vector<16xf32>
    %swap3A_160 = vector.shape_cast %broadcast_in_dim3A_3 : vector<16xf32> to vector<16xf32>
    tpu.vector_store %arg5[%swap3A_157], %swap3A_160 {strides = array<i32>} : memref<2048xf32, #tpu.memory_space<vmem>>, vector<16xf32>,
    %swap3A_161 = arith.constant 624 : index
    %swap3A_162 = tpu.vector_load %arg5[%swap3A_161] {strides = array<i32>} : memref<2048xf32, #tpu.memory_space<vmem>>, vector<16xf32>,
    %swap3A_163 = vector.shape_cast %swap3A_162 : vector<16xf32> to vector<16xf32>
    %swap3A_164 = vector.shape_cast %broadcast_in_dim3A_3 : vector<16xf32> to vector<16xf32>
    tpu.vector_store %arg5[%swap3A_161], %swap3A_164 {strides = array<i32>} : memref<2048xf32, #tpu.memory_space<vmem>>, vector<16xf32>,
    %swap3A_165 = arith.constant 640 : index
    %swap3A_166 = tpu.vector_load %arg5[%swap3A_165] {strides = array<i32>} : memref<2048xf32, #tpu.memory_space<vmem>>, vector<16xf32>,
    %swap3A_167 = vector.shape_cast %swap3A_166 : vector<16xf32> to vector<16xf32>
    %swap3A_168 = vector.shape_cast %broadcast_in_dim3A_3 : vector<16xf32> to vector<16xf32>
    tpu.vector_store %arg5[%swap3A_165], %swap3A_168 {strides = array<i32>} : memref<2048xf32, #tpu.memory_space<vmem>>, vector<16xf32>,
    %swap3A_169 = arith.constant 656 : index
    %swap3A_170 = tpu.vector_load %arg5[%swap3A_169] {strides = array<i32>} : memref<2048xf32, #tpu.memory_space<vmem>>, vector<16xf32>,
    %swap3A_171 = vector.shape_cast %swap3A_170 : vector<16xf32> to vector<16xf32>
    %swap3A_172 = vector.shape_cast %broadcast_in_dim3A_3 : vector<16xf32> to vector<16xf32>
    tpu.vector_store %arg5[%swap3A_169], %swap3A_172 {strides = array<i32>} : memref<2048xf32, #tpu.memory_space<vmem>>, vector<16xf32>,
    %swap3A_173 = arith.constant 672 : index
    %swap3A_174 = tpu.vector_load %arg5[%swap3A_173] {strides = array<i32>} : memref<2048xf32, #tpu.memory_space<vmem>>, vector<16xf32>,
    %swap3A_175 = vector.shape_cast %swap3A_174 : vector<16xf32> to vector<16xf32>
    %swap3A_176 = vector.shape_cast %broadcast_in_dim3A_3 : vector<16xf32> to vector<16xf32>
    tpu.vector_store %arg5[%swap3A_173], %swap3A_176 {strides = array<i32>} : memref<2048xf32, #tpu.memory_space<vmem>>, vector<16xf32>,
    %swap3A_177 = arith.constant 688 : index
    %swap3A_178 = tpu.vector_load %arg5[%swap3A_177] {strides = array<i32>} : memref<2048xf32, #tpu.memory_space<vmem>>, vector<16xf32>,
    %swap3A_179 = vector.shape_cast %swap3A_178 : vector<16xf32> to vector<16xf32>
    %swap3A_180 = vector.shape_cast %broadcast_in_dim3A_3 : vector<16xf32> to vector<16xf32>
    tpu.vector_store %arg5[%swap3A_177], %swap3A_180 {strides = array<i32>} : memref<2048xf32, #tpu.memory_space<vmem>>, vector<16xf32>,
    %swap3A_181 = arith.constant 704 : index
    %swap3A_182 = tpu.vector_load %arg5[%swap3A_181] {strides = array<i32>} : memref<2048xf32, #tpu.memory_space<vmem>>, vector<16xf32>,
    %swap3A_183 = vector.shape_cast %swap3A_182 : vector<16xf32> to vector<16xf32>
    %swap3A_184 = vector.shape_cast %broadcast_in_dim3A_3 : vector<16xf32> to vector<16xf32>
    tpu.vector_store %arg5[%swap3A_181], %swap3A_184 {strides = array<i32>} : memref<2048xf32, #tpu.memory_space<vmem>>, vector<16xf32>,
    %swap3A_185 = arith.constant 720 : index
    %swap3A_186 = tpu.vector_load %arg5[%swap3A_185] {strides = array<i32>} : memref<2048xf32, #tpu.memory_space<vmem>>, vector<16xf32>,
    %swap3A_187 = vector.shape_cast %swap3A_186 : vector<16xf32> to vector<16xf32>
    %swap3A_188 = vector.shape_cast %broadcast_in_dim3A_3 : vector<16xf32> to vector<16xf32>
    tpu.vector_store %arg5[%swap3A_185], %swap3A_188 {strides = array<i32>} : memref<2048xf32, #tpu.memory_space<vmem>>, vector<16xf32>,
    %swap3A_189 = arith.constant 736 : index
    %swap3A_190 = tpu.vector_load %arg5[%swap3A_189] {strides = array<i32>} : memref<2048xf32, #tpu.memory_space<vmem>>, vector<16xf32>,
    %swap3A_191 = vector.shape_cast %swap3A_190 : vector<16xf32> to vector<16xf32>
    %swap3A_192 = vector.shape_cast %broadcast_in_dim3A_3 : vector<16xf32> to vector<16xf32>
    tpu.vector_store %arg5[%swap3A_189], %swap3A_192 {strides = array<i32>} : memref<2048xf32, #tpu.memory_space<vmem>>, vector<16xf32>,
    %swap3A_193 = arith.constant 752 : index
    %swap3A_194 = tpu.vector_load %arg5[%swap3A_193] {strides = array<i32>} : memref<2048xf32, #tpu.memory_space<vmem>>, vector<16xf32>,
    %swap3A_195 = vector.shape_cast %swap3A_194 : vector<16xf32> to vector<16xf32>
    %swap3A_196 = vector.shape_cast %broadcast_in_dim3A_3 : vector<16xf32> to vector<16xf32>
    tpu.vector_store %arg5[%swap3A_193], %swap3A_196 {strides = array<i32>} : memref<2048xf32, #tpu.memory_space<vmem>>, vector<16xf32>,
    %swap3A_197 = arith.constant 768 : index
    %swap3A_198 = tpu.vector_load %arg5[%swap3A_197] {strides = array<i32>} : memref<2048xf32, #tpu.memory_space<vmem>>, vector<16xf32>,
    %swap3A_199 = vector.shape_cast %swap3A_198 : vector<16xf32> to vector<16xf32>
    %swap3A_200 = vector.shape_cast %broadcast_in_dim3A_3 : vector<16xf32> to vector<16xf32>
    tpu.vector_store %arg5[%swap3A_197], %swap3A_200 {strides = array<i32>} : memref<2048xf32, #tpu.memory_space<vmem>>, vector<16xf32>,
    %swap3A_201 = arith.constant 784 : index
    %swap3A_202 = tpu.vector_load %arg5[%swap3A_201] {strides = array<i32>} : memref<2048xf32, #tpu.memory_space<vmem>>, vector<16xf32>,
    %swap3A_203 = vector.shape_cast %swap3A_202 : vector<16xf32> to vector<16xf32>
    %swap3A_204 = vector.shape_cast %broadcast_in_dim3A_3 : vector<16xf32> to vector<16xf32>
    tpu.vector_store %arg5[%swap3A_201], %swap3A_204 {strides = array<i32>} : memref<2048xf32, #tpu.memory_space<vmem>>, vector<16xf32>,
    %swap3A_205 = arith.constant 800 : index
    %swap3A_206 = tpu.vector_load %arg5[%swap3A_205] {strides = array<i32>} : memref<2048xf32, #tpu.memory_space<vmem>>, vector<16xf32>,
    %swap3A_207 = vector.shape_cast %swap3A_206 : vector<16xf32> to vector<16xf32>
    %swap3A_208 = vector.shape_cast %broadcast_in_dim3A_3 : vector<16xf32> to vector<16xf32>
    tpu.vector_store %arg5[%swap3A_205], %swap3A_208 {strides = array<i32>} : memref<2048xf32, #tpu.memory_space<vmem>>, vector<16xf32>,
    %swap3A_209 = arith.constant 816 : index
    %swap3A_210 = tpu.vector_load %arg5[%swap3A_209] {strides = array<i32>} : memref<2048xf32, #tpu.memory_space<vmem>>, vector<16xf32>,
    %swap3A_211 = vector.shape_cast %swap3A_210 : vector<16xf32> to vector<16xf32>
    %swap3A_212 = vector.shape_cast %broadcast_in_dim3A_3 : vector<16xf32> to vector<16xf32>
    tpu.vector_store %arg5[%swap3A_209], %swap3A_212 {strides = array<i32>} : memref<2048xf32, #tpu.memory_space<vmem>>, vector<16xf32>,
    %swap3A_213 = arith.constant 832 : index
    %swap3A_214 = tpu.vector_load %arg5[%swap3A_213] {strides = array<i32>} : memref<2048xf32, #tpu.memory_space<vmem>>, vector<16xf32>,
    %swap3A_215 = vector.shape_cast %swap3A_214 : vector<16xf32> to vector<16xf32>
    %swap3A_216 = vector.shape_cast %broadcast_in_dim3A_3 : vector<16xf32> to vector<16xf32>
    tpu.vector_store %arg5[%swap3A_213], %swap3A_216 {strides = array<i32>} : memref<2048xf32, #tpu.memory_space<vmem>>, vector<16xf32>,
    %swap3A_217 = arith.constant 848 : index
    %swap3A_218 = tpu.vector_load %arg5[%swap3A_217] {strides = array<i32>} : memref<2048xf32, #tpu.memory_space<vmem>>, vector<16xf32>,
    %swap3A_219 = vector.shape_cast %swap3A_218 : vector<16xf32> to vector<16xf32>
    %swap3A_220 = vector.shape_cast %broadcast_in_dim3A_3 : vector<16xf32> to vector<16xf32>
    tpu.vector_store %arg5[%swap3A_217], %swap3A_220 {strides = array<i32>} : memref<2048xf32, #tpu.memory_space<vmem>>, vector<16xf32>,
    %swap3A_221 = arith.constant 864 : index
    %swap3A_222 = tpu.vector_load %arg5[%swap3A_221] {strides = array<i32>} : memref<2048xf32, #tpu.memory_space<vmem>>, vector<16xf32>,
    %swap3A_223 = vector.shape_cast %swap3A_222 : vector<16xf32> to vector<16xf32>
    %swap3A_224 = vector.shape_cast %broadcast_in_dim3A_3 : vector<16xf32> to vector<16xf32>
    tpu.vector_store %arg5[%swap3A_221], %swap3A_224 {strides = array<i32>} : memref<2048xf32, #tpu.memory_space<vmem>>, vector<16xf32>,
    %swap3A_225 = arith.constant 880 : index
    %swap3A_226 = tpu.vector_load %arg5[%swap3A_225] {strides = array<i32>} : memref<2048xf32, #tpu.memory_space<vmem>>, vector<16xf32>,
    %swap3A_227 = vector.shape_cast %swap3A_226 : vector<16xf32> to vector<16xf32>
    %swap3A_228 = vector.shape_cast %broadcast_in_dim3A_3 : vector<16xf32> to vector<16xf32>
    tpu.vector_store %arg5[%swap3A_225], %swap3A_228 {strides = array<i32>} : memref<2048xf32, #tpu.memory_space<vmem>>, vector<16xf32>,
    %swap3A_229 = arith.constant 896 : index
    %swap3A_230 = tpu.vector_load %arg5[%swap3A_229] {strides = array<i32>} : memref<2048xf32, #tpu.memory_space<vmem>>, vector<16xf32>,
    %swap3A_231 = vector.shape_cast %swap3A_230 : vector<16xf32> to vector<16xf32>
    %swap3A_232 = vector.shape_cast %broadcast_in_dim3A_3 : vector<16xf32> to vector<16xf32>
    tpu.vector_store %arg5[%swap3A_229], %swap3A_232 {strides = array<i32>} : memref<2048xf32, #tpu.memory_space<vmem>>, vector<16xf32>,
    %swap3A_233 = arith.constant 912 : index
    %swap3A_234 = tpu.vector_load %arg5[%swap3A_233] {strides = array<i32>} : memref<2048xf32, #tpu.memory_space<vmem>>, vector<16xf32>,
    %swap3A_235 = vector.shape_cast %swap3A_234 : vector<16xf32> to vector<16xf32>
    %swap3A_236 = vector.shape_cast %broadcast_in_dim3A_3 : vector<16xf32> to vector<16xf32>
    tpu.vector_store %arg5[%swap3A_233], %swap3A_236 {strides = array<i32>} : memref<2048xf32, #tpu.memory_space<vmem>>, vector<16xf32>,
    %swap3A_237 = arith.constant 928 : index
    %swap3A_238 = tpu.vector_load %arg5[%swap3A_237] {strides = array<i32>} : memref<2048xf32, #tpu.memory_space<vmem>>, vector<16xf32>,
    %swap3A_239 = vector.shape_cast %swap3A_238 : vector<16xf32> to vector<16xf32>
    %swap3A_240 = vector.shape_cast %broadcast_in_dim3A_3 : vector<16xf32> to vector<16xf32>
    tpu.vector_store %arg5[%swap3A_237], %swap3A_240 {strides = array<i32>} : memref<2048xf32, #tpu.memory_space<vmem>>, vector<16xf32>,
    %swap3A_241 = arith.constant 944 : index
    %swap3A_242 = tpu.vector_load %arg5[%swap3A_241] {strides = array<i32>} : memref<2048xf32, #tpu.memory_space<vmem>>, vector<16xf32>,
    %swap3A_243 = vector.shape_cast %swap3A_242 : vector<16xf32> to vector<16xf32>
    %swap3A_244 = vector.shape_cast %broadcast_in_dim3A_3 : vector<16xf32> to vector<16xf32>
    tpu.vector_store %arg5[%swap3A_241], %swap3A_244 {strides = array<i32>} : memref<2048xf32, #tpu.memory_space<vmem>>, vector<16xf32>,
    %swap3A_245 = arith.constant 960 : index
    %swap3A_246 = tpu.vector_load %arg5[%swap3A_245] {strides = array<i32>} : memref<2048xf32, #tpu.memory_space<vmem>>, vector<16xf32>,
    %swap3A_247 = vector.shape_cast %swap3A_246 : vector<16xf32> to vector<16xf32>
    %swap3A_248 = vector.shape_cast %broadcast_in_dim3A_3 : vector<16xf32> to vector<16xf32>
    tpu.vector_store %arg5[%swap3A_245], %swap3A_248 {strides = array<i32>} : memref<2048xf32, #tpu.memory_space<vmem>>, vector<16xf32>,
    %swap3A_249 = arith.constant 976 : index
    %swap3A_250 = tpu.vector_load %arg5[%swap3A_249] {strides = array<i32>} : memref<2048xf32, #tpu.memory_space<vmem>>, vector<16xf32>,
    %swap3A_251 = vector.shape_cast %swap3A_250 : vector<16xf32> to vector<16xf32>
    %swap3A_252 = vector.shape_cast %broadcast_in_dim3A_3 : vector<16xf32> to vector<16xf32>
    tpu.vector_store %arg5[%swap3A_249], %swap3A_252 {strides = array<i32>} : memref<2048xf32, #tpu.memory_space<vmem>>, vector<16xf32>,
    %swap3A_253 = arith.constant 992 : index
    %swap3A_254 = tpu.vector_load %arg5[%swap3A_253] {strides = array<i32>} : memref<2048xf32, #tpu.memory_space<vmem>>, vector<16xf32>,
    %swap3A_255 = vector.shape_cast %swap3A_254 : vector<16xf32> to vector<16xf32>
    %swap3A_256 = vector.shape_cast %broadcast_in_dim3A_3 : vector<16xf32> to vector<16xf32>
    tpu.vector_store %arg5[%swap3A_253], %swap3A_256 {strides = array<i32>} : memref<2048xf32, #tpu.memory_space<vmem>>, vector<16xf32>,
    %swap3A_257 = arith.constant 1008 : index
    %swap3A_258 = tpu.vector_load %arg5[%swap3A_257] {strides = array<i32>} : memref<2048xf32, #tpu.memory_space<vmem>>, vector<16xf32>,
    %swap3A_259 = vector.shape_cast %swap3A_258 : vector<16xf32> to vector<16xf32>
    %swap3A_260 = vector.shape_cast %broadcast_in_dim3A_3 : vector<16xf32> to vector<16xf32>
    tpu.vector_store %arg5[%swap3A_257], %swap3A_260 {strides = array<i32>} : memref<2048xf32, #tpu.memory_space<vmem>>, vector<16xf32>,
    %swap3A_261 = arith.constant 1024 : index
    %swap3A_262 = tpu.vector_load %arg5[%swap3A_261] {strides = array<i32>} : memref<2048xf32, #tpu.memory_space<vmem>>, vector<16xf32>,
    %swap3A_263 = vector.shape_cast %swap3A_262 : vector<16xf32> to vector<16xf32>
    %swap3A_264 = vector.shape_cast %broadcast_in_dim3A_3 : vector<16xf32> to vector<16xf32>
    tpu.vector_store %arg5[%swap3A_261], %swap3A_264 {strides = array<i32>} : memref<2048xf32, #tpu.memory_space<vmem>>, vector<16xf32>,
    %swap3A_265 = arith.constant 1040 : index
    %swap3A_266 = tpu.vector_load %arg5[%swap3A_265] {strides = array<i32>} : memref<2048xf32, #tpu.memory_space<vmem>>, vector<16xf32>,
    %swap3A_267 = vector.shape_cast %swap3A_266 : vector<16xf32> to vector<16xf32>
    %swap3A_268 = vector.shape_cast %broadcast_in_dim3A_3 : vector<16xf32> to vector<16xf32>
    tpu.vector_store %arg5[%swap3A_265], %swap3A_268 {strides = array<i32>} : memref<2048xf32, #tpu.memory_space<vmem>>, vector<16xf32>,
    %swap3A_269 = arith.constant 1056 : index
    %swap3A_270 = tpu.vector_load %arg5[%swap3A_269] {strides = array<i32>} : memref<2048xf32, #tpu.memory_space<vmem>>, vector<16xf32>,
    %swap3A_271 = vector.shape_cast %swap3A_270 : vector<16xf32> to vector<16xf32>
    %swap3A_272 = vector.shape_cast %broadcast_in_dim3A_3 : vector<16xf32> to vector<16xf32>
    tpu.vector_store %arg5[%swap3A_269], %swap3A_272 {strides = array<i32>} : memref<2048xf32, #tpu.memory_space<vmem>>, vector<16xf32>,
    %swap3A_273 = arith.constant 1072 : index
    %swap3A_274 = tpu.vector_load %arg5[%swap3A_273] {strides = array<i32>} : memref<2048xf32, #tpu.memory_space<vmem>>, vector<16xf32>,
    %swap3A_275 = vector.shape_cast %swap3A_274 : vector<16xf32> to vector<16xf32>
    %swap3A_276 = vector.shape_cast %broadcast_in_dim3A_3 : vector<16xf32> to vector<16xf32>
    tpu.vector_store %arg5[%swap3A_273], %swap3A_276 {strides = array<i32>} : memref<2048xf32, #tpu.memory_space<vmem>>, vector<16xf32>,
    %swap3A_277 = arith.constant 1088 : index
    %swap3A_278 = tpu.vector_load %arg5[%swap3A_277] {strides = array<i32>} : memref<2048xf32, #tpu.memory_space<vmem>>, vector<16xf32>,
    %swap3A_279 = vector.shape_cast %swap3A_278 : vector<16xf32> to vector<16xf32>
    %swap3A_280 = vector.shape_cast %broadcast_in_dim3A_3 : vector<16xf32> to vector<16xf32>
    tpu.vector_store %arg5[%swap3A_277], %swap3A_280 {strides = array<i32>} : memref<2048xf32, #tpu.memory_space<vmem>>, vector<16xf32>,
    %swap3A_281 = arith.constant 1104 : index
    %swap3A_282 = tpu.vector_load %arg5[%swap3A_281] {strides = array<i32>} : memref<2048xf32, #tpu.memory_space<vmem>>, vector<16xf32>,
    %swap3A_283 = vector.shape_cast %swap3A_282 : vector<16xf32> to vector<16xf32>
    %swap3A_284 = vector.shape_cast %broadcast_in_dim3A_3 : vector<16xf32> to vector<16xf32>
    tpu.vector_store %arg5[%swap3A_281], %swap3A_284 {strides = array<i32>} : memref<2048xf32, #tpu.memory_space<vmem>>, vector<16xf32>,
    %swap3A_285 = arith.constant 1120 : index
    %swap3A_286 = tpu.vector_load %arg5[%swap3A_285] {strides = array<i32>} : memref<2048xf32, #tpu.memory_space<vmem>>, vector<16xf32>,
    %swap3A_287 = vector.shape_cast %swap3A_286 : vector<16xf32> to vector<16xf32>
    %swap3A_288 = vector.shape_cast %broadcast_in_dim3A_3 : vector<16xf32> to vector<16xf32>
    tpu.vector_store %arg5[%swap3A_285], %swap3A_288 {strides = array<i32>} : memref<2048xf32, #tpu.memory_space<vmem>>, vector<16xf32>,
    %swap3A_289 = arith.constant 1136 : index
    %swap3A_290 = tpu.vector_load %arg5[%swap3A_289] {strides = array<i32>} : memref<2048xf32, #tpu.memory_space<vmem>>, vector<16xf32>,
    %swap3A_291 = vector.shape_cast %swap3A_290 : vector<16xf32> to vector<16xf32>
    %swap3A_292 = vector.shape_cast %broadcast_in_dim3A_3 : vector<16xf32> to vector<16xf32>
    tpu.vector_store %arg5[%swap3A_289], %swap3A_292 {strides = array<i32>} : memref<2048xf32, #tpu.memory_space<vmem>>, vector<16xf32>,
    %swap3A_293 = arith.constant 1152 : index
    %swap3A_294 = tpu.vector_load %arg5[%swap3A_293] {strides = array<i32>} : memref<2048xf32, #tpu.memory_space<vmem>>, vector<16xf32>,
    %swap3A_295 = vector.shape_cast %swap3A_294 : vector<16xf32> to vector<16xf32>
    %swap3A_296 = vector.shape_cast %broadcast_in_dim3A_3 : vector<16xf32> to vector<16xf32>
    tpu.vector_store %arg5[%swap3A_293], %swap3A_296 {strides = array<i32>} : memref<2048xf32, #tpu.memory_space<vmem>>, vector<16xf32>,
    %swap3A_297 = arith.constant 1168 : index
    %swap3A_298 = tpu.vector_load %arg5[%swap3A_297] {strides = array<i32>} : memref<2048xf32, #tpu.memory_space<vmem>>, vector<16xf32>,
    %swap3A_299 = vector.shape_cast %swap3A_298 : vector<16xf32> to vector<16xf32>
    %swap3A_300 = vector.shape_cast %broadcast_in_dim3A_3 : vector<16xf32> to vector<16xf32>
    tpu.vector_store %arg5[%swap3A_297], %swap3A_300 {strides = array<i32>} : memref<2048xf32, #tpu.memory_space<vmem>>, vector<16xf32>,
    %swap3A_301 = arith.constant 1184 : index
    %swap3A_302 = tpu.vector_load %arg5[%swap3A_301] {strides = array<i32>} : memref<2048xf32, #tpu.memory_space<vmem>>, vector<16xf32>,
    %swap3A_303 = vector.shape_cast %swap3A_302 : vector<16xf32> to vector<16xf32>
    %swap3A_304 = vector.shape_cast %broadcast_in_dim3A_3 : vector<16xf32> to vector<16xf32>
    tpu.vector_store %arg5[%swap3A_301], %swap3A_304 {strides = array<i32>} : memref<2048xf32, #tpu.memory_space<vmem>>, vector<16xf32>,
    %swap3A_305 = arith.constant 1200 : index
    %swap3A_306 = tpu.vector_load %arg5[%swap3A_305] {strides = array<i32>} : memref<2048xf32, #tpu.memory_space<vmem>>, vector<16xf32>,
    %swap3A_307 = vector.shape_cast %swap3A_306 : vector<16xf32> to vector<16xf32>
    %swap3A_308 = vector.shape_cast %broadcast_in_dim3A_3 : vector<16xf32> to vector<16xf32>
    tpu.vector_store %arg5[%swap3A_305], %swap3A_308 {strides = array<i32>} : memref<2048xf32, #tpu.memory_space<vmem>>, vector<16xf32>,
    %swap3A_309 = arith.constant 1216 : index
    %swap3A_310 = tpu.vector_load %arg5[%swap3A_309] {strides = array<i32>} : memref<2048xf32, #tpu.memory_space<vmem>>, vector<16xf32>,
    %swap3A_311 = vector.shape_cast %swap3A_310 : vector<16xf32> to vector<16xf32>
    %swap3A_312 = vector.shape_cast %broadcast_in_dim3A_3 : vector<16xf32> to vector<16xf32>
    tpu.vector_store %arg5[%swap3A_309], %swap3A_312 {strides = array<i32>} : memref<2048xf32, #tpu.memory_space<vmem>>, vector<16xf32>,
    %swap3A_313 = arith.constant 1232 : index
    %swap3A_314 = tpu.vector_load %arg5[%swap3A_313] {strides = array<i32>} : memref<2048xf32, #tpu.memory_space<vmem>>, vector<16xf32>,
    %swap3A_315 = vector.shape_cast %swap3A_314 : vector<16xf32> to vector<16xf32>
    %swap3A_316 = vector.shape_cast %broadcast_in_dim3A_3 : vector<16xf32> to vector<16xf32>
    tpu.vector_store %arg5[%swap3A_313], %swap3A_316 {strides = array<i32>} : memref<2048xf32, #tpu.memory_space<vmem>>, vector<16xf32>,
    %swap3A_317 = arith.constant 1248 : index
    %swap3A_318 = tpu.vector_load %arg5[%swap3A_317] {strides = array<i32>} : memref<2048xf32, #tpu.memory_space<vmem>>, vector<16xf32>,
    %swap3A_319 = vector.shape_cast %swap3A_318 : vector<16xf32> to vector<16xf32>
    %swap3A_320 = vector.shape_cast %broadcast_in_dim3A_3 : vector<16xf32> to vector<16xf32>
    tpu.vector_store %arg5[%swap3A_317], %swap3A_320 {strides = array<i32>} : memref<2048xf32, #tpu.memory_space<vmem>>, vector<16xf32>,
    %swap3A_321 = arith.constant 1264 : index
    %swap3A_322 = tpu.vector_load %arg5[%swap3A_321] {strides = array<i32>} : memref<2048xf32, #tpu.memory_space<vmem>>, vector<16xf32>,
    %swap3A_323 = vector.shape_cast %swap3A_322 : vector<16xf32> to vector<16xf32>
    %swap3A_324 = vector.shape_cast %broadcast_in_dim3A_3 : vector<16xf32> to vector<16xf32>
    tpu.vector_store %arg5[%swap3A_321], %swap3A_324 {strides = array<i32>} : memref<2048xf32, #tpu.memory_space<vmem>>, vector<16xf32>,
    %swap3A_325 = arith.constant 1280 : index
    %swap3A_326 = tpu.vector_load %arg5[%swap3A_325] {strides = array<i32>} : memref<2048xf32, #tpu.memory_space<vmem>>, vector<16xf32>,
    %swap3A_327 = vector.shape_cast %swap3A_326 : vector<16xf32> to vector<16xf32>
    %swap3A_328 = vector.shape_cast %broadcast_in_dim3A_3 : vector<16xf32> to vector<16xf32>
    tpu.vector_store %arg5[%swap3A_325], %swap3A_328 {strides = array<i32>} : memref<2048xf32, #tpu.memory_space<vmem>>, vector<16xf32>,
    %swap3A_329 = arith.constant 1296 : index
    %swap3A_330 = tpu.vector_load %arg5[%swap3A_329] {strides = array<i32>} : memref<2048xf32, #tpu.memory_space<vmem>>, vector<16xf32>,
    %swap3A_331 = vector.shape_cast %swap3A_330 : vector<16xf32> to vector<16xf32>
    %swap3A_332 = vector.shape_cast %broadcast_in_dim3A_3 : vector<16xf32> to vector<16xf32>
    tpu.vector_store %arg5[%swap3A_329], %swap3A_332 {strides = array<i32>} : memref<2048xf32, #tpu.memory_space<vmem>>, vector<16xf32>,
    %swap3A_333 = arith.constant 1312 : index
    %swap3A_334 = tpu.vector_load %arg5[%swap3A_333] {strides = array<i32>} : memref<2048xf32, #tpu.memory_space<vmem>>, vector<16xf32>,
    %swap3A_335 = vector.shape_cast %swap3A_334 : vector<16xf32> to vector<16xf32>
    %swap3A_336 = vector.shape_cast %broadcast_in_dim3A_3 : vector<16xf32> to vector<16xf32>
    tpu.vector_store %arg5[%swap3A_333], %swap3A_336 {strides = array<i32>} : memref<2048xf32, #tpu.memory_space<vmem>>, vector<16xf32>,
    %swap3A_337 = arith.constant 1328 : index
    %swap3A_338 = tpu.vector_load %arg5[%swap3A_337] {strides = array<i32>} : memref<2048xf32, #tpu.memory_space<vmem>>, vector<16xf32>,
    %swap3A_339 = vector.shape_cast %swap3A_338 : vector<16xf32> to vector<16xf32>
    %swap3A_340 = vector.shape_cast %broadcast_in_dim3A_3 : vector<16xf32> to vector<16xf32>
    tpu.vector_store %arg5[%swap3A_337], %swap3A_340 {strides = array<i32>} : memref<2048xf32, #tpu.memory_space<vmem>>, vector<16xf32>,
    %swap3A_341 = arith.constant 1344 : index
    %swap3A_342 = tpu.vector_load %arg5[%swap3A_341] {strides = array<i32>} : memref<2048xf32, #tpu.memory_space<vmem>>, vector<16xf32>,
    %swap3A_343 = vector.shape_cast %swap3A_342 : vector<16xf32> to vector<16xf32>
    %swap3A_344 = vector.shape_cast %broadcast_in_dim3A_3 : vector<16xf32> to vector<16xf32>
    tpu.vector_store %arg5[%swap3A_341], %swap3A_344 {strides = array<i32>} : memref<2048xf32, #tpu.memory_space<vmem>>, vector<16xf32>,
    %swap3A_345 = arith.constant 1360 : index
    %swap3A_346 = tpu.vector_load %arg5[%swap3A_345] {strides = array<i32>} : memref<2048xf32, #tpu.memory_space<vmem>>, vector<16xf32>,
    %swap3A_347 = vector.shape_cast %swap3A_346 : vector<16xf32> to vector<16xf32>
    %swap3A_348 = vector.shape_cast %broadcast_in_dim3A_3 : vector<16xf32> to vector<16xf32>
    tpu.vector_store %arg5[%swap3A_345], %swap3A_348 {strides = array<i32>} : memref<2048xf32, #tpu.memory_space<vmem>>, vector<16xf32>,
    %swap3A_349 = arith.constant 1376 : index
    %swap3A_350 = tpu.vector_load %arg5[%swap3A_349] {strides = array<i32>} : memref<2048xf32, #tpu.memory_space<vmem>>, vector<16xf32>,
    %swap3A_351 = vector.shape_cast %swap3A_350 : vector<16xf32> to vector<16xf32>
    %swap3A_352 = vector.shape_cast %broadcast_in_dim3A_3 : vector<16xf32> to vector<16xf32>
    tpu.vector_store %arg5[%swap3A_349], %swap3A_352 {strides = array<i32>} : memref<2048xf32, #tpu.memory_space<vmem>>, vector<16xf32>,
    %swap3A_353 = arith.constant 1392 : index
    %swap3A_354 = tpu.vector_load %arg5[%swap3A_353] {strides = array<i32>} : memref<2048xf32, #tpu.memory_space<vmem>>, vector<16xf32>,
    %swap3A_355 = vector.shape_cast %swap3A_354 : vector<16xf32> to vector<16xf32>
    %swap3A_356 = vector.shape_cast %broadcast_in_dim3A_3 : vector<16xf32> to vector<16xf32>
    tpu.vector_store %arg5[%swap3A_353], %swap3A_356 {strides = array<i32>} : memref<2048xf32, #tpu.memory_space<vmem>>, vector<16xf32>,
    %swap3A_357 = arith.constant 1408 : index
    %swap3A_358 = tpu.vector_load %arg5[%swap3A_357] {strides = array<i32>} : memref<2048xf32, #tpu.memory_space<vmem>>, vector<16xf32>,
    %swap3A_359 = vector.shape_cast %swap3A_358 : vector<16xf32> to vector<16xf32>
    %swap3A_360 = vector.shape_cast %broadcast_in_dim3A_3 : vector<16xf32> to vector<16xf32>
    tpu.vector_store %arg5[%swap3A_357], %swap3A_360 {strides = array<i32>} : memref<2048xf32, #tpu.memory_space<vmem>>, vector<16xf32>,
    %swap3A_361 = arith.constant 1424 : index
    %swap3A_362 = tpu.vector_load %arg5[%swap3A_361] {strides = array<i32>} : memref<2048xf32, #tpu.memory_space<vmem>>, vector<16xf32>,
    %swap3A_363 = vector.shape_cast %swap3A_362 : vector<16xf32> to vector<16xf32>
    %swap3A_364 = vector.shape_cast %broadcast_in_dim3A_3 : vector<16xf32> to vector<16xf32>
    tpu.vector_store %arg5[%swap3A_361], %swap3A_364 {strides = array<i32>} : memref<2048xf32, #tpu.memory_space<vmem>>, vector<16xf32>,
    %swap3A_365 = arith.constant 1440 : index
    %swap3A_366 = tpu.vector_load %arg5[%swap3A_365] {strides = array<i32>} : memref<2048xf32, #tpu.memory_space<vmem>>, vector<16xf32>,
    %swap3A_367 = vector.shape_cast %swap3A_366 : vector<16xf32> to vector<16xf32>
    %swap3A_368 = vector.shape_cast %broadcast_in_dim3A_3 : vector<16xf32> to vector<16xf32>
    tpu.vector_store %arg5[%swap3A_365], %swap3A_368 {strides = array<i32>} : memref<2048xf32, #tpu.memory_space<vmem>>, vector<16xf32>,
    %swap3A_369 = arith.constant 1456 : index
    %swap3A_370 = tpu.vector_load %arg5[%swap3A_369] {strides = array<i32>} : memref<2048xf32, #tpu.memory_space<vmem>>, vector<16xf32>,
    %swap3A_371 = vector.shape_cast %swap3A_370 : vector<16xf32> to vector<16xf32>
    %swap3A_372 = vector.shape_cast %broadcast_in_dim3A_3 : vector<16xf32> to vector<16xf32>
    tpu.vector_store %arg5[%swap3A_369], %swap3A_372 {strides = array<i32>} : memref<2048xf32, #tpu.memory_space<vmem>>, vector<16xf32>,
    %swap3A_373 = arith.constant 1472 : index
    %swap3A_374 = tpu.vector_load %arg5[%swap3A_373] {strides = array<i32>} : memref<2048xf32, #tpu.memory_space<vmem>>, vector<16xf32>,
    %swap3A_375 = vector.shape_cast %swap3A_374 : vector<16xf32> to vector<16xf32>
    %swap3A_376 = vector.shape_cast %broadcast_in_dim3A_3 : vector<16xf32> to vector<16xf32>
    tpu.vector_store %arg5[%swap3A_373], %swap3A_376 {strides = array<i32>} : memref<2048xf32, #tpu.memory_space<vmem>>, vector<16xf32>,
    %swap3A_377 = arith.constant 1488 : index
    %swap3A_378 = tpu.vector_load %arg5[%swap3A_377] {strides = array<i32>} : memref<2048xf32, #tpu.memory_space<vmem>>, vector<16xf32>,
    %swap3A_379 = vector.shape_cast %swap3A_378 : vector<16xf32> to vector<16xf32>
    %swap3A_380 = vector.shape_cast %broadcast_in_dim3A_3 : vector<16xf32> to vector<16xf32>
    tpu.vector_store %arg5[%swap3A_377], %swap3A_380 {strides = array<i32>} : memref<2048xf32, #tpu.memory_space<vmem>>, vector<16xf32>,
    %swap3A_381 = arith.constant 1504 : index
    %swap3A_382 = tpu.vector_load %arg5[%swap3A_381] {strides = array<i32>} : memref<2048xf32, #tpu.memory_space<vmem>>, vector<16xf32>,
    %swap3A_383 = vector.shape_cast %swap3A_382 : vector<16xf32> to vector<16xf32>
    %swap3A_384 = vector.shape_cast %broadcast_in_dim3A_3 : vector<16xf32> to vector<16xf32>
    tpu.vector_store %arg5[%swap3A_381], %swap3A_384 {strides = array<i32>} : memref<2048xf32, #tpu.memory_space<vmem>>, vector<16xf32>,
    %swap3A_385 = arith.constant 1520 : index
    %swap3A_386 = tpu.vector_load %arg5[%swap3A_385] {strides = array<i32>} : memref<2048xf32, #tpu.memory_space<vmem>>, vector<16xf32>,
    %swap3A_387 = vector.shape_cast %swap3A_386 : vector<16xf32> to vector<16xf32>
    %swap3A_388 = vector.shape_cast %broadcast_in_dim3A_3 : vector<16xf32> to vector<16xf32>
    tpu.vector_store %arg5[%swap3A_385], %swap3A_388 {strides = array<i32>} : memref<2048xf32, #tpu.memory_space<vmem>>, vector<16xf32>,
    %swap3A_389 = arith.constant 1536 : index
    %swap3A_390 = tpu.vector_load %arg5[%swap3A_389] {strides = array<i32>} : memref<2048xf32, #tpu.memory_space<vmem>>, vector<16xf32>,
    %swap3A_391 = vector.shape_cast %swap3A_390 : vector<16xf32> to vector<16xf32>
    %swap3A_392 = vector.shape_cast %broadcast_in_dim3A_3 : vector<16xf32> to vector<16xf32>
    tpu.vector_store %arg5[%swap3A_389], %swap3A_392 {strides = array<i32>} : memref<2048xf32, #tpu.memory_space<vmem>>, vector<16xf32>,
    %swap3A_393 = arith.constant 1552 : index
    %swap3A_394 = tpu.vector_load %arg5[%swap3A_393] {strides = array<i32>} : memref<2048xf32, #tpu.memory_space<vmem>>, vector<16xf32>,
    %swap3A_395 = vector.shape_cast %swap3A_394 : vector<16xf32> to vector<16xf32>
    %swap3A_396 = vector.shape_cast %broadcast_in_dim3A_3 : vector<16xf32> to vector<16xf32>
    tpu.vector_store %arg5[%swap3A_393], %swap3A_396 {strides = array<i32>} : memref<2048xf32, #tpu.memory_space<vmem>>, vector<16xf32>,
    %swap3A_397 = arith.constant 1568 : index
    %swap3A_398 = tpu.vector_load %arg5[%swap3A_397] {strides = array<i32>} : memref<2048xf32, #tpu.memory_space<vmem>>, vector<16xf32>,
    %swap3A_399 = vector.shape_cast %swap3A_398 : vector<16xf32> to vector<16xf32>
    %swap3A_400 = vector.shape_cast %broadcast_in_dim3A_3 : vector<16xf32> to vector<16xf32>
    tpu.vector_store %arg5[%swap3A_397], %swap3A_400 {strides = array<i32>} : memref<2048xf32, #tpu.memory_space<vmem>>, vector<16xf32>,
    %swap3A_401 = arith.constant 1584 : index
    %swap3A_402 = tpu.vector_load %arg5[%swap3A_401] {strides = array<i32>} : memref<2048xf32, #tpu.memory_space<vmem>>, vector<16xf32>,
    %swap3A_403 = vector.shape_cast %swap3A_402 : vector<16xf32> to vector<16xf32>
    %swap3A_404 = vector.shape_cast %broadcast_in_dim3A_3 : vector<16xf32> to vector<16xf32>
    tpu.vector_store %arg5[%swap3A_401], %swap3A_404 {strides = array<i32>} : memref<2048xf32, #tpu.memory_space<vmem>>, vector<16xf32>,
    %swap3A_405 = arith.constant 1600 : index
    %swap3A_406 = tpu.vector_load %arg5[%swap3A_405] {strides = array<i32>} : memref<2048xf32, #tpu.memory_space<vmem>>, vector<16xf32>,
    %swap3A_407 = vector.shape_cast %swap3A_406 : vector<16xf32> to vector<16xf32>
    %swap3A_408 = vector.shape_cast %broadcast_in_dim3A_3 : vector<16xf32> to vector<16xf32>
    tpu.vector_store %arg5[%swap3A_405], %swap3A_408 {strides = array<i32>} : memref<2048xf32, #tpu.memory_space<vmem>>, vector<16xf32>,
    %swap3A_409 = arith.constant 1616 : index
    %swap3A_410 = tpu.vector_load %arg5[%swap3A_409] {strides = array<i32>} : memref<2048xf32, #tpu.memory_space<vmem>>, vector<16xf32>,
    %swap3A_411 = vector.shape_cast %swap3A_410 : vector<16xf32> to vector<16xf32>
    %swap3A_412 = vector.shape_cast %broadcast_in_dim3A_3 : vector<16xf32> to vector<16xf32>
    tpu.vector_store %arg5[%swap3A_409], %swap3A_412 {strides = array<i32>} : memref<2048xf32, #tpu.memory_space<vmem>>, vector<16xf32>,
    %swap3A_413 = arith.constant 1632 : index
    %swap3A_414 = tpu.vector_load %arg5[%swap3A_413] {strides = array<i32>} : memref<2048xf32, #tpu.memory_space<vmem>>, vector<16xf32>,
    %swap3A_415 = vector.shape_cast %swap3A_414 : vector<16xf32> to vector<16xf32>
    %swap3A_416 = vector.shape_cast %broadcast_in_dim3A_3 : vector<16xf32> to vector<16xf32>
    tpu.vector_store %arg5[%swap3A_413], %swap3A_416 {strides = array<i32>} : memref<2048xf32, #tpu.memory_space<vmem>>, vector<16xf32>,
    %swap3A_417 = arith.constant 1648 : index
    %swap3A_418 = tpu.vector_load %arg5[%swap3A_417] {strides = array<i32>} : memref<2048xf32, #tpu.memory_space<vmem>>, vector<16xf32>,
    %swap3A_419 = vector.shape_cast %swap3A_418 : vector<16xf32> to vector<16xf32>
    %swap3A_420 = vector.shape_cast %broadcast_in_dim3A_3 : vector<16xf32> to vector<16xf32>
    tpu.vector_store %arg5[%swap3A_417], %swap3A_420 {strides = array<i32>} : memref<2048xf32, #tpu.memory_space<vmem>>, vector<16xf32>,
    %swap3A_421 = arith.constant 1664 : index
    %swap3A_422 = tpu.vector_load %arg5[%swap3A_421] {strides = array<i32>} : memref<2048xf32, #tpu.memory_space<vmem>>, vector<16xf32>,
    %swap3A_423 = vector.shape_cast %swap3A_422 : vector<16xf32> to vector<16xf32>
    %swap3A_424 = vector.shape_cast %broadcast_in_dim3A_3 : vector<16xf32> to vector<16xf32>
    tpu.vector_store %arg5[%swap3A_421], %swap3A_424 {strides = array<i32>} : memref<2048xf32, #tpu.memory_space<vmem>>, vector<16xf32>,
    %swap3A_425 = arith.constant 1680 : index
    %swap3A_426 = tpu.vector_load %arg5[%swap3A_425] {strides = array<i32>} : memref<2048xf32, #tpu.memory_space<vmem>>, vector<16xf32>,
    %swap3A_427 = vector.shape_cast %swap3A_426 : vector<16xf32> to vector<16xf32>
    %swap3A_428 = vector.shape_cast %broadcast_in_dim3A_3 : vector<16xf32> to vector<16xf32>
    tpu.vector_store %arg5[%swap3A_425], %swap3A_428 {strides = array<i32>} : memref<2048xf32, #tpu.memory_space<vmem>>, vector<16xf32>,
    %swap3A_429 = arith.constant 1696 : index
    %swap3A_430 = tpu.vector_load %arg5[%swap3A_429] {strides = array<i32>} : memref<2048xf32, #tpu.memory_space<vmem>>, vector<16xf32>,
    %swap3A_431 = vector.shape_cast %swap3A_430 : vector<16xf32> to vector<16xf32>
    %swap3A_432 = vector.shape_cast %broadcast_in_dim3A_3 : vector<16xf32> to vector<16xf32>
    tpu.vector_store %arg5[%swap3A_429], %swap3A_432 {strides = array<i32>} : memref<2048xf32, #tpu.memory_space<vmem>>, vector<16xf32>,
    %swap3A_433 = arith.constant 1712 : index
    %swap3A_434 = tpu.vector_load %arg5[%swap3A_433] {strides = array<i32>} : memref<2048xf32, #tpu.memory_space<vmem>>, vector<16xf32>,
    %swap3A_435 = vector.shape_cast %swap3A_434 : vector<16xf32> to vector<16xf32>
    %swap3A_436 = vector.shape_cast %broadcast_in_dim3A_3 : vector<16xf32> to vector<16xf32>
    tpu.vector_store %arg5[%swap3A_433], %swap3A_436 {strides = array<i32>} : memref<2048xf32, #tpu.memory_space<vmem>>, vector<16xf32>,
    %swap3A_437 = arith.constant 1728 : index
    %swap3A_438 = tpu.vector_load %arg5[%swap3A_437] {strides = array<i32>} : memref<2048xf32, #tpu.memory_space<vmem>>, vector<16xf32>,
    %swap3A_439 = vector.shape_cast %swap3A_438 : vector<16xf32> to vector<16xf32>
    %swap3A_440 = vector.shape_cast %broadcast_in_dim3A_3 : vector<16xf32> to vector<16xf32>
    tpu.vector_store %arg5[%swap3A_437], %swap3A_440 {strides = array<i32>} : memref<2048xf32, #tpu.memory_space<vmem>>, vector<16xf32>,
    %swap3A_441 = arith.constant 1744 : index
    %swap3A_442 = tpu.vector_load %arg5[%swap3A_441] {strides = array<i32>} : memref<2048xf32, #tpu.memory_space<vmem>>, vector<16xf32>,
    %swap3A_443 = vector.shape_cast %swap3A_442 : vector<16xf32> to vector<16xf32>
    %swap3A_444 = vector.shape_cast %broadcast_in_dim3A_3 : vector<16xf32> to vector<16xf32>
    tpu.vector_store %arg5[%swap3A_441], %swap3A_444 {strides = array<i32>} : memref<2048xf32, #tpu.memory_space<vmem>>, vector<16xf32>,
    %swap3A_445 = arith.constant 1760 : index
    %swap3A_446 = tpu.vector_load %arg5[%swap3A_445] {strides = array<i32>} : memref<2048xf32, #tpu.memory_space<vmem>>, vector<16xf32>,
    %swap3A_447 = vector.shape_cast %swap3A_446 : vector<16xf32> to vector<16xf32>
    %swap3A_448 = vector.shape_cast %broadcast_in_dim3A_3 : vector<16xf32> to vector<16xf32>
    tpu.vector_store %arg5[%swap3A_445], %swap3A_448 {strides = array<i32>} : memref<2048xf32, #tpu.memory_space<vmem>>, vector<16xf32>,
    %swap3A_449 = arith.constant 1776 : index
    %swap3A_450 = tpu.vector_load %arg5[%swap3A_449] {strides = array<i32>} : memref<2048xf32, #tpu.memory_space<vmem>>, vector<16xf32>,
    %swap3A_451 = vector.shape_cast %swap3A_450 : vector<16xf32> to vector<16xf32>
    %swap3A_452 = vector.shape_cast %broadcast_in_dim3A_3 : vector<16xf32> to vector<16xf32>
    tpu.vector_store %arg5[%swap3A_449], %swap3A_452 {strides = array<i32>} : memref<2048xf32, #tpu.memory_space<vmem>>, vector<16xf32>,
    %swap3A_453 = arith.constant 1792 : index
    %swap3A_454 = tpu.vector_load %arg5[%swap3A_453] {strides = array<i32>} : memref<2048xf32, #tpu.memory_space<vmem>>, vector<16xf32>,
    %swap3A_455 = vector.shape_cast %swap3A_454 : vector<16xf32> to vector<16xf32>
    %swap3A_456 = vector.shape_cast %broadcast_in_dim3A_3 : vector<16xf32> to vector<16xf32>
    tpu.vector_store %arg5[%swap3A_453], %swap3A_456 {strides = array<i32>} : memref<2048xf32, #tpu.memory_space<vmem>>, vector<16xf32>,
    %swap3A_457 = arith.constant 1808 : index
    %swap3A_458 = tpu.vector_load %arg5[%swap3A_457] {strides = array<i32>} : memref<2048xf32, #tpu.memory_space<vmem>>, vector<16xf32>,
    %swap3A_459 = vector.shape_cast %swap3A_458 : vector<16xf32> to vector<16xf32>
    %swap3A_460 = vector.shape_cast %broadcast_in_dim3A_3 : vector<16xf32> to vector<16xf32>
    tpu.vector_store %arg5[%swap3A_457], %swap3A_460 {strides = array<i32>} : memref<2048xf32, #tpu.memory_space<vmem>>, vector<16xf32>,
    %swap3A_461 = arith.constant 1824 : index
    %swap3A_462 = tpu.vector_load %arg5[%swap3A_461] {strides = array<i32>} : memref<2048xf32, #tpu.memory_space<vmem>>, vector<16xf32>,
    %swap3A_463 = vector.shape_cast %swap3A_462 : vector<16xf32> to vector<16xf32>
    %swap3A_464 = vector.shape_cast %broadcast_in_dim3A_3 : vector<16xf32> to vector<16xf32>
    tpu.vector_store %arg5[%swap3A_461], %swap3A_464 {strides = array<i32>} : memref<2048xf32, #tpu.memory_space<vmem>>, vector<16xf32>,
    %swap3A_465 = arith.constant 1840 : index
    %swap3A_466 = tpu.vector_load %arg5[%swap3A_465] {strides = array<i32>} : memref<2048xf32, #tpu.memory_space<vmem>>, vector<16xf32>,
    %swap3A_467 = vector.shape_cast %swap3A_466 : vector<16xf32> to vector<16xf32>
    %swap3A_468 = vector.shape_cast %broadcast_in_dim3A_3 : vector<16xf32> to vector<16xf32>
    tpu.vector_store %arg5[%swap3A_465], %swap3A_468 {strides = array<i32>} : memref<2048xf32, #tpu.memory_space<vmem>>, vector<16xf32>,
    %swap3A_469 = arith.constant 1856 : index
    %swap3A_470 = tpu.vector_load %arg5[%swap3A_469] {strides = array<i32>} : memref<2048xf32, #tpu.memory_space<vmem>>, vector<16xf32>,
    %swap3A_471 = vector.shape_cast %swap3A_470 : vector<16xf32> to vector<16xf32>
    %swap3A_472 = vector.shape_cast %broadcast_in_dim3A_3 : vector<16xf32> to vector<16xf32>
    tpu.vector_store %arg5[%swap3A_469], %swap3A_472 {strides = array<i32>} : memref<2048xf32, #tpu.memory_space<vmem>>, vector<16xf32>,
    %swap3A_473 = arith.constant 1872 : index
    %swap3A_474 = tpu.vector_load %arg5[%swap3A_473] {strides = array<i32>} : memref<2048xf32, #tpu.memory_space<vmem>>, vector<16xf32>,
    %swap3A_475 = vector.shape_cast %swap3A_474 : vector<16xf32> to vector<16xf32>
    %swap3A_476 = vector.shape_cast %broadcast_in_dim3A_3 : vector<16xf32> to vector<16xf32>
    tpu.vector_store %arg5[%swap3A_473], %swap3A_476 {strides = array<i32>} : memref<2048xf32, #tpu.memory_space<vmem>>, vector<16xf32>,
    %swap3A_477 = arith.constant 1888 : index
    %swap3A_478 = tpu.vector_load %arg5[%swap3A_477] {strides = array<i32>} : memref<2048xf32, #tpu.memory_space<vmem>>, vector<16xf32>,
    %swap3A_479 = vector.shape_cast %swap3A_478 : vector<16xf32> to vector<16xf32>
    %swap3A_480 = vector.shape_cast %broadcast_in_dim3A_3 : vector<16xf32> to vector<16xf32>
    tpu.vector_store %arg5[%swap3A_477], %swap3A_480 {strides = array<i32>} : memref<2048xf32, #tpu.memory_space<vmem>>, vector<16xf32>,
    %swap3A_481 = arith.constant 1904 : index
    %swap3A_482 = tpu.vector_load %arg5[%swap3A_481] {strides = array<i32>} : memref<2048xf32, #tpu.memory_space<vmem>>, vector<16xf32>,
    %swap3A_483 = vector.shape_cast %swap3A_482 : vector<16xf32> to vector<16xf32>
    %swap3A_484 = vector.shape_cast %broadcast_in_dim3A_3 : vector<16xf32> to vector<16xf32>
    tpu.vector_store %arg5[%swap3A_481], %swap3A_484 {strides = array<i32>} : memref<2048xf32, #tpu.memory_space<vmem>>, vector<16xf32>,
    %swap3A_485 = arith.constant 1920 : index
    %swap3A_486 = tpu.vector_load %arg5[%swap3A_485] {strides = array<i32>} : memref<2048xf32, #tpu.memory_space<vmem>>, vector<16xf32>,
    %swap3A_487 = vector.shape_cast %swap3A_486 : vector<16xf32> to vector<16xf32>
    %swap3A_488 = vector.shape_cast %broadcast_in_dim3A_3 : vector<16xf32> to vector<16xf32>
    tpu.vector_store %arg5[%swap3A_485], %swap3A_488 {strides = array<i32>} : memref<2048xf32, #tpu.memory_space<vmem>>, vector<16xf32>,
    %swap3A_489 = arith.constant 1936 : index
    %swap3A_490 = tpu.vector_load %arg5[%swap3A_489] {strides = array<i32>} : memref<2048xf32, #tpu.memory_space<vmem>>, vector<16xf32>,
    %swap3A_491 = vector.shape_cast %swap3A_490 : vector<16xf32> to vector<16xf32>
    %swap3A_492 = vector.shape_cast %broadcast_in_dim3A_3 : vector<16xf32> to vector<16xf32>
    tpu.vector_store %arg5[%swap3A_489], %swap3A_492 {strides = array<i32>} : memref<2048xf32, #tpu.memory_space<vmem>>, vector<16xf32>,
    %swap3A_493 = arith.constant 1952 : index
    %swap3A_494 = tpu.vector_load %arg5[%swap3A_493] {strides = array<i32>} : memref<2048xf32, #tpu.memory_space<vmem>>, vector<16xf32>,
    %swap3A_495 = vector.shape_cast %swap3A_494 : vector<16xf32> to vector<16xf32>
    %swap3A_496 = vector.shape_cast %broadcast_in_dim3A_3 : vector<16xf32> to vector<16xf32>
    tpu.vector_store %arg5[%swap3A_493], %swap3A_496 {strides = array<i32>} : memref<2048xf32, #tpu.memory_space<vmem>>, vector<16xf32>,
    %swap3A_497 = arith.constant 1968 : index
    %swap3A_498 = tpu.vector_load %arg5[%swap3A_497] {strides = array<i32>} : memref<2048xf32, #tpu.memory_space<vmem>>, vector<16xf32>,
    %swap3A_499 = vector.shape_cast %swap3A_498 : vector<16xf32> to vector<16xf32>
    %swap3A_500 = vector.shape_cast %broadcast_in_dim3A_3 : vector<16xf32> to vector<16xf32>
    tpu.vector_store %arg5[%swap3A_497], %swap3A_500 {strides = array<i32>} : memref<2048xf32, #tpu.memory_space<vmem>>, vector<16xf32>,
    %swap3A_501 = arith.constant 1984 : index
    %swap3A_502 = tpu.vector_load %arg5[%swap3A_501] {strides = array<i32>} : memref<2048xf32, #tpu.memory_space<vmem>>, vector<16xf32>,
    %swap3A_503 = vector.shape_cast %swap3A_502 : vector<16xf32> to vector<16xf32>
    %swap3A_504 = vector.shape_cast %broadcast_in_dim3A_3 : vector<16xf32> to vector<16xf32>
    tpu.vector_store %arg5[%swap3A_501], %swap3A_504 {strides = array<i32>} : memref<2048xf32, #tpu.memory_space<vmem>>, vector<16xf32>,
    %swap3A_505 = arith.constant 2000 : index
    %swap3A_506 = tpu.vector_load %arg5[%swap3A_505] {strides = array<i32>} : memref<2048xf32, #tpu.memory_space<vmem>>, vector<16xf32>,
    %swap3A_507 = vector.shape_cast %swap3A_506 : vector<16xf32> to vector<16xf32>
    %swap3A_508 = vector.shape_cast %broadcast_in_dim3A_3 : vector<16xf32> to vector<16xf32>
    tpu.vector_store %arg5[%swap3A_505], %swap3A_508 {strides = array<i32>} : memref<2048xf32, #tpu.memory_space<vmem>>, vector<16xf32>,
    %swap3A_509 = arith.constant 2016 : index
    %swap3A_510 = tpu.vector_load %arg5[%swap3A_509] {strides = array<i32>} : memref<2048xf32, #tpu.memory_space<vmem>>, vector<16xf32>,
    %swap3A_511 = vector.shape_cast %swap3A_510 : vector<16xf32> to vector<16xf32>
    %swap3A_512 = vector.shape_cast %broadcast_in_dim3A_3 : vector<16xf32> to vector<16xf32>
    tpu.vector_store %arg5[%swap3A_509], %swap3A_512 {strides = array<i32>} : memref<2048xf32, #tpu.memory_space<vmem>>, vector<16xf32>,
    %swap3A_513 = arith.constant 2032 : index
    %swap3A_514 = tpu.vector_load %arg5[%swap3A_513] {strides = array<i32>} : memref<2048xf32, #tpu.memory_space<vmem>>, vector<16xf32>,
    %swap3A_515 = vector.shape_cast %swap3A_514 : vector<16xf32> to vector<16xf32>
    %swap3A_516 = vector.shape_cast %broadcast_in_dim3A_3 : vector<16xf32> to vector<16xf32>
    tpu.vector_store %arg5[%swap3A_513], %swap3A_516 {strides = array<i32>} : memref<2048xf32, #tpu.memory_space<vmem>>, vector<16xf32>,
    %swap3A_517 = arith.constant 0 : index
    %swap3A_518 = tpu.vector_load %arg6[%swap3A_517] {strides = array<i32>} : memref<512xf32, #tpu.memory_space<vmem>>, vector<16xf32>,
    %swap3A_519 = vector.shape_cast %swap3A_518 : vector<16xf32> to vector<16xf32>
    %swap3A_520 = vector.shape_cast %broadcast_in_dim3A_5 : vector<16xf32> to vector<16xf32>
    tpu.vector_store %arg6[%swap3A_517], %swap3A_520 {strides = array<i32>} : memref<512xf32, #tpu.memory_space<vmem>>, vector<16xf32>,
    %get3A = arith.constant 0 : index
    %get3A_521 = tpu.vector_load %arg4[%get3A] {strides = array<i32>} : memref<512xi32, #tpu.memory_space<vmem>>, vector<16xi32>,
    %get3A_522 = vector.shape_cast %get3A_521 : vector<16xi32> to vector<16xi32>
    %mul3A_523 = arith.constant 2048 : i32
    %mul3A_524 = arith.muli %add3A, %mul3A_523 : i32
    %add3A_525 = vector.broadcast %mul3A_524 : i32 to vector<16xi32>
    %add3A_526 = arith.addi %get3A_522, %add3A_525 : vector<16xi32>
    %swap3A_527 = arith.constant 0 : index
    %swap3A_528 = tpu.vector_load %arg4[%swap3A_527] {strides = array<i32>} : memref<512xi32, #tpu.memory_space<vmem>>, vector<16xi32>,
    %swap3A_529 = vector.shape_cast %swap3A_528 : vector<16xi32> to vector<16xi32>
    %swap3A_530 = vector.shape_cast %add3A_526 : vector<16xi32> to vector<16xi32>
    tpu.vector_store %arg4[%swap3A_527], %swap3A_530 {strides = array<i32>} : memref<512xi32, #tpu.memory_space<vmem>>, vector<16xi32>,
    %swap3A_531 = arith.constant 16 : index
    %swap3A_532 = tpu.vector_load %arg6[%swap3A_531] {strides = array<i32>} : memref<512xf32, #tpu.memory_space<vmem>>, vector<16xf32>,
    %swap3A_533 = vector.shape_cast %swap3A_532 : vector<16xf32> to vector<16xf32>
    %swap3A_534 = vector.shape_cast %broadcast_in_dim3A_5 : vector<16xf32> to vector<16xf32>
    tpu.vector_store %arg6[%swap3A_531], %swap3A_534 {strides = array<i32>} : memref<512xf32, #tpu.memory_space<vmem>>, vector<16xf32>,
    %get3A_535 = arith.constant 16 : index
    %get3A_536 = tpu.vector_load %arg4[%get3A_535] {strides = array<i32>} : memref<512xi32, #tpu.memory_space<vmem>>, vector<16xi32>,
    %get3A_537 = vector.shape_cast %get3A_536 : vector<16xi32> to vector<16xi32>
    %mul3A_538 = arith.constant 2048 : i32
    %mul3A_539 = arith.muli %add3A, %mul3A_538 : i32
    %add3A_540 = vector.broadcast %mul3A_539 : i32 to vector<16xi32>
    %add3A_541 = arith.addi %get3A_537, %add3A_540 : vector<16xi32>
    %swap3A_542 = arith.constant 16 : index
    %swap3A_543 = tpu.vector_load %arg4[%swap3A_542] {strides = array<i32>} : memref<512xi32, #tpu.memory_space<vmem>>, vector<16xi32>,
    %swap3A_544 = vector.shape_cast %swap3A_543 : vector<16xi32> to vector<16xi32>
    %swap3A_545 = vector.shape_cast %add3A_541 : vector<16xi32> to vector<16xi32>
    tpu.vector_store %arg4[%swap3A_542], %swap3A_545 {strides = array<i32>} : memref<512xi32, #tpu.memory_space<vmem>>, vector<16xi32>,
    %swap3A_546 = arith.constant 32 : index
    %swap3A_547 = tpu.vector_load %arg6[%swap3A_546] {strides = array<i32>} : memref<512xf32, #tpu.memory_space<vmem>>, vector<16xf32>,
    %swap3A_548 = vector.shape_cast %swap3A_547 : vector<16xf32> to vector<16xf32>
    %swap3A_549 = vector.shape_cast %broadcast_in_dim3A_5 : vector<16xf32> to vector<16xf32>
    tpu.vector_store %arg6[%swap3A_546], %swap3A_549 {strides = array<i32>} : memref<512xf32, #tpu.memory_space<vmem>>, vector<16xf32>,
    %get3A_550 = arith.constant 32 : index
    %get3A_551 = tpu.vector_load %arg4[%get3A_550] {strides = array<i32>} : memref<512xi32, #tpu.memory_space<vmem>>, vector<16xi32>,
    %get3A_552 = vector.shape_cast %get3A_551 : vector<16xi32> to vector<16xi32>
    %mul3A_553 = arith.constant 2048 : i32
    %mul3A_554 = arith.muli %add3A, %mul3A_553 : i32
    %add3A_555 = vector.broadcast %mul3A_554 : i32 to vector<16xi32>
    %add3A_556 = arith.addi %get3A_552, %add3A_555 : vector<16xi32>
    %swap3A_557 = arith.constant 32 : index
    %swap3A_558 = tpu.vector_load %arg4[%swap3A_557] {strides = array<i32>} : memref<512xi32, #tpu.memory_space<vmem>>, vector<16xi32>,
    %swap3A_559 = vector.shape_cast %swap3A_558 : vector<16xi32> to vector<16xi32>
    %swap3A_560 = vector.shape_cast %add3A_556 : vector<16xi32> to vector<16xi32>
    tpu.vector_store %arg4[%swap3A_557], %swap3A_560 {strides = array<i32>} : memref<512xi32, #tpu.memory_space<vmem>>, vector<16xi32>,
    %swap3A_561 = arith.constant 48 : index
    %swap3A_562 = tpu.vector_load %arg6[%swap3A_561] {strides = array<i32>} : memref<512xf32, #tpu.memory_space<vmem>>, vector<16xf32>,
    %swap3A_563 = vector.shape_cast %swap3A_562 : vector<16xf32> to vector<16xf32>
    %swap3A_564 = vector.shape_cast %broadcast_in_dim3A_5 : vector<16xf32> to vector<16xf32>
    tpu.vector_store %arg6[%swap3A_561], %swap3A_564 {strides = array<i32>} : memref<512xf32, #tpu.memory_space<vmem>>, vector<16xf32>,
    %get3A_565 = arith.constant 48 : index
    %get3A_566 = tpu.vector_load %arg4[%get3A_565] {strides = array<i32>} : memref<512xi32, #tpu.memory_space<vmem>>, vector<16xi32>,
    %get3A_567 = vector.shape_cast %get3A_566 : vector<16xi32> to vector<16xi32>
    %mul3A_568 = arith.constant 2048 : i32
    %mul3A_569 = arith.muli %add3A, %mul3A_568 : i32
    %add3A_570 = vector.broadcast %mul3A_569 : i32 to vector<16xi32>
    %add3A_571 = arith.addi %get3A_567, %add3A_570 : vector<16xi32>
    %swap3A_572 = arith.constant 48 : index
    %swap3A_573 = tpu.vector_load %arg4[%swap3A_572] {strides = array<i32>} : memref<512xi32, #tpu.memory_space<vmem>>, vector<16xi32>,
    %swap3A_574 = vector.shape_cast %swap3A_573 : vector<16xi32> to vector<16xi32>
    %swap3A_575 = vector.shape_cast %add3A_571 : vector<16xi32> to vector<16xi32>
    tpu.vector_store %arg4[%swap3A_572], %swap3A_575 {strides = array<i32>} : memref<512xi32, #tpu.memory_space<vmem>>, vector<16xi32>,
    %swap3A_576 = arith.constant 64 : index
    %swap3A_577 = tpu.vector_load %arg6[%swap3A_576] {strides = array<i32>} : memref<512xf32, #tpu.memory_space<vmem>>, vector<16xf32>,
    %swap3A_578 = vector.shape_cast %swap3A_577 : vector<16xf32> to vector<16xf32>
    %swap3A_579 = vector.shape_cast %broadcast_in_dim3A_5 : vector<16xf32> to vector<16xf32>
    tpu.vector_store %arg6[%swap3A_576], %swap3A_579 {strides = array<i32>} : memref<512xf32, #tpu.memory_space<vmem>>, vector<16xf32>,
    %get3A_580 = arith.constant 64 : index
    %get3A_581 = tpu.vector_load %arg4[%get3A_580] {strides = array<i32>} : memref<512xi32, #tpu.memory_space<vmem>>, vector<16xi32>,
    %get3A_582 = vector.shape_cast %get3A_581 : vector<16xi32> to vector<16xi32>
    %mul3A_583 = arith.constant 2048 : i32
    %mul3A_584 = arith.muli %add3A, %mul3A_583 : i32
    %add3A_585 = vector.broadcast %mul3A_584 : i32 to vector<16xi32>
    %add3A_586 = arith.addi %get3A_582, %add3A_585 : vector<16xi32>
    %swap3A_587 = arith.constant 64 : index
    %swap3A_588 = tpu.vector_load %arg4[%swap3A_587] {strides = array<i32>} : memref<512xi32, #tpu.memory_space<vmem>>, vector<16xi32>,
    %swap3A_589 = vector.shape_cast %swap3A_588 : vector<16xi32> to vector<16xi32>
    %swap3A_590 = vector.shape_cast %add3A_586 : vector<16xi32> to vector<16xi32>
    tpu.vector_store %arg4[%swap3A_587], %swap3A_590 {strides = array<i32>} : memref<512xi32, #tpu.memory_space<vmem>>, vector<16xi32>,
    %swap3A_591 = arith.constant 80 : index
    %swap3A_592 = tpu.vector_load %arg6[%swap3A_591] {strides = array<i32>} : memref<512xf32, #tpu.memory_space<vmem>>, vector<16xf32>,
    %swap3A_593 = vector.shape_cast %swap3A_592 : vector<16xf32> to vector<16xf32>
    %swap3A_594 = vector.shape_cast %broadcast_in_dim3A_5 : vector<16xf32> to vector<16xf32>
    tpu.vector_store %arg6[%swap3A_591], %swap3A_594 {strides = array<i32>} : memref<512xf32, #tpu.memory_space<vmem>>, vector<16xf32>,
    %get3A_595 = arith.constant 80 : index
    %get3A_596 = tpu.vector_load %arg4[%get3A_595] {strides = array<i32>} : memref<512xi32, #tpu.memory_space<vmem>>, vector<16xi32>,
    %get3A_597 = vector.shape_cast %get3A_596 : vector<16xi32> to vector<16xi32>
    %mul3A_598 = arith.constant 2048 : i32
    %mul3A_599 = arith.muli %add3A, %mul3A_598 : i32
    %add3A_600 = vector.broadcast %mul3A_599 : i32 to vector<16xi32>
    %add3A_601 = arith.addi %get3A_597, %add3A_600 : vector<16xi32>
    %swap3A_602 = arith.constant 80 : index
    %swap3A_603 = tpu.vector_load %arg4[%swap3A_602] {strides = array<i32>} : memref<512xi32, #tpu.memory_space<vmem>>, vector<16xi32>,
    %swap3A_604 = vector.shape_cast %swap3A_603 : vector<16xi32> to vector<16xi32>
    %swap3A_605 = vector.shape_cast %add3A_601 : vector<16xi32> to vector<16xi32>
    tpu.vector_store %arg4[%swap3A_602], %swap3A_605 {strides = array<i32>} : memref<512xi32, #tpu.memory_space<vmem>>, vector<16xi32>,
    %swap3A_606 = arith.constant 96 : index
    %swap3A_607 = tpu.vector_load %arg6[%swap3A_606] {strides = array<i32>} : memref<512xf32, #tpu.memory_space<vmem>>, vector<16xf32>,
    %swap3A_608 = vector.shape_cast %swap3A_607 : vector<16xf32> to vector<16xf32>
    %swap3A_609 = vector.shape_cast %broadcast_in_dim3A_5 : vector<16xf32> to vector<16xf32>
    tpu.vector_store %arg6[%swap3A_606], %swap3A_609 {strides = array<i32>} : memref<512xf32, #tpu.memory_space<vmem>>, vector<16xf32>,
    %get3A_610 = arith.constant 96 : index
    %get3A_611 = tpu.vector_load %arg4[%get3A_610] {strides = array<i32>} : memref<512xi32, #tpu.memory_space<vmem>>, vector<16xi32>,
    %get3A_612 = vector.shape_cast %get3A_611 : vector<16xi32> to vector<16xi32>
    %mul3A_613 = arith.constant 2048 : i32
    %mul3A_614 = arith.muli %add3A, %mul3A_613 : i32
    %add3A_615 = vector.broadcast %mul3A_614 : i32 to vector<16xi32>
    %add3A_616 = arith.addi %get3A_612, %add3A_615 : vector<16xi32>
    %swap3A_617 = arith.constant 96 : index
    %swap3A_618 = tpu.vector_load %arg4[%swap3A_617] {strides = array<i32>} : memref<512xi32, #tpu.memory_space<vmem>>, vector<16xi32>,
    %swap3A_619 = vector.shape_cast %swap3A_618 : vector<16xi32> to vector<16xi32>
    %swap3A_620 = vector.shape_cast %add3A_616 : vector<16xi32> to vector<16xi32>
    tpu.vector_store %arg4[%swap3A_617], %swap3A_620 {strides = array<i32>} : memref<512xi32, #tpu.memory_space<vmem>>, vector<16xi32>,
    %swap3A_621 = arith.constant 112 : index
    %swap3A_622 = tpu.vector_load %arg6[%swap3A_621] {strides = array<i32>} : memref<512xf32, #tpu.memory_space<vmem>>, vector<16xf32>,
    %swap3A_623 = vector.shape_cast %swap3A_622 : vector<16xf32> to vector<16xf32>
    %swap3A_624 = vector.shape_cast %broadcast_in_dim3A_5 : vector<16xf32> to vector<16xf32>
    tpu.vector_store %arg6[%swap3A_621], %swap3A_624 {strides = array<i32>} : memref<512xf32, #tpu.memory_space<vmem>>, vector<16xf32>,
    %get3A_625 = arith.constant 112 : index
    %get3A_626 = tpu.vector_load %arg4[%get3A_625] {strides = array<i32>} : memref<512xi32, #tpu.memory_space<vmem>>, vector<16xi32>,
    %get3A_627 = vector.shape_cast %get3A_626 : vector<16xi32> to vector<16xi32>
    %mul3A_628 = arith.constant 2048 : i32
    %mul3A_629 = arith.muli %add3A, %mul3A_628 : i32
    %add3A_630 = vector.broadcast %mul3A_629 : i32 to vector<16xi32>
    %add3A_631 = arith.addi %get3A_627, %add3A_630 : vector<16xi32>
    %swap3A_632 = arith.constant 112 : index
    %swap3A_633 = tpu.vector_load %arg4[%swap3A_632] {strides = array<i32>} : memref<512xi32, #tpu.memory_space<vmem>>, vector<16xi32>,
    %swap3A_634 = vector.shape_cast %swap3A_633 : vector<16xi32> to vector<16xi32>
    %swap3A_635 = vector.shape_cast %add3A_631 : vector<16xi32> to vector<16xi32>
    tpu.vector_store %arg4[%swap3A_632], %swap3A_635 {strides = array<i32>} : memref<512xi32, #tpu.memory_space<vmem>>, vector<16xi32>,
    %swap3A_636 = arith.constant 128 : index
    %swap3A_637 = tpu.vector_load %arg6[%swap3A_636] {strides = array<i32>} : memref<512xf32, #tpu.memory_space<vmem>>, vector<16xf32>,
    %swap3A_638 = vector.shape_cast %swap3A_637 : vector<16xf32> to vector<16xf32>
    %swap3A_639 = vector.shape_cast %broadcast_in_dim3A_5 : vector<16xf32> to vector<16xf32>
    tpu.vector_store %arg6[%swap3A_636], %swap3A_639 {strides = array<i32>} : memref<512xf32, #tpu.memory_space<vmem>>, vector<16xf32>,
    %get3A_640 = arith.constant 128 : index
    %get3A_641 = tpu.vector_load %arg4[%get3A_640] {strides = array<i32>} : memref<512xi32, #tpu.memory_space<vmem>>, vector<16xi32>,
    %get3A_642 = vector.shape_cast %get3A_641 : vector<16xi32> to vector<16xi32>
    %mul3A_643 = arith.constant 2048 : i32
    %mul3A_644 = arith.muli %add3A, %mul3A_643 : i32
    %add3A_645 = vector.broadcast %mul3A_644 : i32 to vector<16xi32>
    %add3A_646 = arith.addi %get3A_642, %add3A_645 : vector<16xi32>
    %swap3A_647 = arith.constant 128 : index
    %swap3A_648 = tpu.vector_load %arg4[%swap3A_647] {strides = array<i32>} : memref<512xi32, #tpu.memory_space<vmem>>, vector<16xi32>,
    %swap3A_649 = vector.shape_cast %swap3A_648 : vector<16xi32> to vector<16xi32>
    %swap3A_650 = vector.shape_cast %add3A_646 : vector<16xi32> to vector<16xi32>
    tpu.vector_store %arg4[%swap3A_647], %swap3A_650 {strides = array<i32>} : memref<512xi32, #tpu.memory_space<vmem>>, vector<16xi32>,
    %swap3A_651 = arith.constant 144 : index
    %swap3A_652 = tpu.vector_load %arg6[%swap3A_651] {strides = array<i32>} : memref<512xf32, #tpu.memory_space<vmem>>, vector<16xf32>,
    %swap3A_653 = vector.shape_cast %swap3A_652 : vector<16xf32> to vector<16xf32>
    %swap3A_654 = vector.shape_cast %broadcast_in_dim3A_5 : vector<16xf32> to vector<16xf32>
    tpu.vector_store %arg6[%swap3A_651], %swap3A_654 {strides = array<i32>} : memref<512xf32, #tpu.memory_space<vmem>>, vector<16xf32>,
    %get3A_655 = arith.constant 144 : index
    %get3A_656 = tpu.vector_load %arg4[%get3A_655] {strides = array<i32>} : memref<512xi32, #tpu.memory_space<vmem>>, vector<16xi32>,
    %get3A_657 = vector.shape_cast %get3A_656 : vector<16xi32> to vector<16xi32>
    %mul3A_658 = arith.constant 2048 : i32
    %mul3A_659 = arith.muli %add3A, %mul3A_658 : i32
    %add3A_660 = vector.broadcast %mul3A_659 : i32 to vector<16xi32>
    %add3A_661 = arith.addi %get3A_657, %add3A_660 : vector<16xi32>
    %swap3A_662 = arith.constant 144 : index
    %swap3A_663 = tpu.vector_load %arg4[%swap3A_662] {strides = array<i32>} : memref<512xi32, #tpu.memory_space<vmem>>, vector<16xi32>,
    %swap3A_664 = vector.shape_cast %swap3A_663 : vector<16xi32> to vector<16xi32>
    %swap3A_665 = vector.shape_cast %add3A_661 : vector<16xi32> to vector<16xi32>
    tpu.vector_store %arg4[%swap3A_662], %swap3A_665 {strides = array<i32>} : memref<512xi32, #tpu.memory_space<vmem>>, vector<16xi32>,
    %swap3A_666 = arith.constant 160 : index
    %swap3A_667 = tpu.vector_load %arg6[%swap3A_666] {strides = array<i32>} : memref<512xf32, #tpu.memory_space<vmem>>, vector<16xf32>,
    %swap3A_668 = vector.shape_cast %swap3A_667 : vector<16xf32> to vector<16xf32>
    %swap3A_669 = vector.shape_cast %broadcast_in_dim3A_5 : vector<16xf32> to vector<16xf32>
    tpu.vector_store %arg6[%swap3A_666], %swap3A_669 {strides = array<i32>} : memref<512xf32, #tpu.memory_space<vmem>>, vector<16xf32>,
    %get3A_670 = arith.constant 160 : index
    %get3A_671 = tpu.vector_load %arg4[%get3A_670] {strides = array<i32>} : memref<512xi32, #tpu.memory_space<vmem>>, vector<16xi32>,
    %get3A_672 = vector.shape_cast %get3A_671 : vector<16xi32> to vector<16xi32>
    %mul3A_673 = arith.constant 2048 : i32
    %mul3A_674 = arith.muli %add3A, %mul3A_673 : i32
    %add3A_675 = vector.broadcast %mul3A_674 : i32 to vector<16xi32>
    %add3A_676 = arith.addi %get3A_672, %add3A_675 : vector<16xi32>
    %swap3A_677 = arith.constant 160 : index
    %swap3A_678 = tpu.vector_load %arg4[%swap3A_677] {strides = array<i32>} : memref<512xi32, #tpu.memory_space<vmem>>, vector<16xi32>,
    %swap3A_679 = vector.shape_cast %swap3A_678 : vector<16xi32> to vector<16xi32>
    %swap3A_680 = vector.shape_cast %add3A_676 : vector<16xi32> to vector<16xi32>
    tpu.vector_store %arg4[%swap3A_677], %swap3A_680 {strides = array<i32>} : memref<512xi32, #tpu.memory_space<vmem>>, vector<16xi32>,
    %swap3A_681 = arith.constant 176 : index
    %swap3A_682 = tpu.vector_load %arg6[%swap3A_681] {strides = array<i32>} : memref<512xf32, #tpu.memory_space<vmem>>, vector<16xf32>,
    %swap3A_683 = vector.shape_cast %swap3A_682 : vector<16xf32> to vector<16xf32>
    %swap3A_684 = vector.shape_cast %broadcast_in_dim3A_5 : vector<16xf32> to vector<16xf32>
    tpu.vector_store %arg6[%swap3A_681], %swap3A_684 {strides = array<i32>} : memref<512xf32, #tpu.memory_space<vmem>>, vector<16xf32>,
    %get3A_685 = arith.constant 176 : index
    %get3A_686 = tpu.vector_load %arg4[%get3A_685] {strides = array<i32>} : memref<512xi32, #tpu.memory_space<vmem>>, vector<16xi32>,
    %get3A_687 = vector.shape_cast %get3A_686 : vector<16xi32> to vector<16xi32>
    %mul3A_688 = arith.constant 2048 : i32
    %mul3A_689 = arith.muli %add3A, %mul3A_688 : i32
    %add3A_690 = vector.broadcast %mul3A_689 : i32 to vector<16xi32>
    %add3A_691 = arith.addi %get3A_687, %add3A_690 : vector<16xi32>
    %swap3A_692 = arith.constant 176 : index
    %swap3A_693 = tpu.vector_load %arg4[%swap3A_692] {strides = array<i32>} : memref<512xi32, #tpu.memory_space<vmem>>, vector<16xi32>,
    %swap3A_694 = vector.shape_cast %swap3A_693 : vector<16xi32> to vector<16xi32>
    %swap3A_695 = vector.shape_cast %add3A_691 : vector<16xi32> to vector<16xi32>
    tpu.vector_store %arg4[%swap3A_692], %swap3A_695 {strides = array<i32>} : memref<512xi32, #tpu.memory_space<vmem>>, vector<16xi32>,
    %swap3A_696 = arith.constant 192 : index
    %swap3A_697 = tpu.vector_load %arg6[%swap3A_696] {strides = array<i32>} : memref<512xf32, #tpu.memory_space<vmem>>, vector<16xf32>,
    %swap3A_698 = vector.shape_cast %swap3A_697 : vector<16xf32> to vector<16xf32>
    %swap3A_699 = vector.shape_cast %broadcast_in_dim3A_5 : vector<16xf32> to vector<16xf32>
    tpu.vector_store %arg6[%swap3A_696], %swap3A_699 {strides = array<i32>} : memref<512xf32, #tpu.memory_space<vmem>>, vector<16xf32>,
    %get3A_700 = arith.constant 192 : index
    %get3A_701 = tpu.vector_load %arg4[%get3A_700] {strides = array<i32>} : memref<512xi32, #tpu.memory_space<vmem>>, vector<16xi32>,
    %get3A_702 = vector.shape_cast %get3A_701 : vector<16xi32> to vector<16xi32>
    %mul3A_703 = arith.constant 2048 : i32
    %mul3A_704 = arith.muli %add3A, %mul3A_703 : i32
    %add3A_705 = vector.broadcast %mul3A_704 : i32 to vector<16xi32>
    %add3A_706 = arith.addi %get3A_702, %add3A_705 : vector<16xi32>
    %swap3A_707 = arith.constant 192 : index
    %swap3A_708 = tpu.vector_load %arg4[%swap3A_707] {strides = array<i32>} : memref<512xi32, #tpu.memory_space<vmem>>, vector<16xi32>,
    %swap3A_709 = vector.shape_cast %swap3A_708 : vector<16xi32> to vector<16xi32>
    %swap3A_710 = vector.shape_cast %add3A_706 : vector<16xi32> to vector<16xi32>
    tpu.vector_store %arg4[%swap3A_707], %swap3A_710 {strides = array<i32>} : memref<512xi32, #tpu.memory_space<vmem>>, vector<16xi32>,
    %swap3A_711 = arith.constant 208 : index
    %swap3A_712 = tpu.vector_load %arg6[%swap3A_711] {strides = array<i32>} : memref<512xf32, #tpu.memory_space<vmem>>, vector<16xf32>,
    %swap3A_713 = vector.shape_cast %swap3A_712 : vector<16xf32> to vector<16xf32>
    %swap3A_714 = vector.shape_cast %broadcast_in_dim3A_5 : vector<16xf32> to vector<16xf32>
    tpu.vector_store %arg6[%swap3A_711], %swap3A_714 {strides = array<i32>} : memref<512xf32, #tpu.memory_space<vmem>>, vector<16xf32>,
    %get3A_715 = arith.constant 208 : index
    %get3A_716 = tpu.vector_load %arg4[%get3A_715] {strides = array<i32>} : memref<512xi32, #tpu.memory_space<vmem>>, vector<16xi32>,
    %get3A_717 = vector.shape_cast %get3A_716 : vector<16xi32> to vector<16xi32>
    %mul3A_718 = arith.constant 2048 : i32
    %mul3A_719 = arith.muli %add3A, %mul3A_718 : i32
    %add3A_720 = vector.broadcast %mul3A_719 : i32 to vector<16xi32>
    %add3A_721 = arith.addi %get3A_717, %add3A_720 : vector<16xi32>
    %swap3A_722 = arith.constant 208 : index
    %swap3A_723 = tpu.vector_load %arg4[%swap3A_722] {strides = array<i32>} : memref<512xi32, #tpu.memory_space<vmem>>, vector<16xi32>,
    %swap3A_724 = vector.shape_cast %swap3A_723 : vector<16xi32> to vector<16xi32>
    %swap3A_725 = vector.shape_cast %add3A_721 : vector<16xi32> to vector<16xi32>
    tpu.vector_store %arg4[%swap3A_722], %swap3A_725 {strides = array<i32>} : memref<512xi32, #tpu.memory_space<vmem>>, vector<16xi32>,
    %swap3A_726 = arith.constant 224 : index
    %swap3A_727 = tpu.vector_load %arg6[%swap3A_726] {strides = array<i32>} : memref<512xf32, #tpu.memory_space<vmem>>, vector<16xf32>,
    %swap3A_728 = vector.shape_cast %swap3A_727 : vector<16xf32> to vector<16xf32>
    %swap3A_729 = vector.shape_cast %broadcast_in_dim3A_5 : vector<16xf32> to vector<16xf32>
    tpu.vector_store %arg6[%swap3A_726], %swap3A_729 {strides = array<i32>} : memref<512xf32, #tpu.memory_space<vmem>>, vector<16xf32>,
    %get3A_730 = arith.constant 224 : index
    %get3A_731 = tpu.vector_load %arg4[%get3A_730] {strides = array<i32>} : memref<512xi32, #tpu.memory_space<vmem>>, vector<16xi32>,
    %get3A_732 = vector.shape_cast %get3A_731 : vector<16xi32> to vector<16xi32>
    %mul3A_733 = arith.constant 2048 : i32
    %mul3A_734 = arith.muli %add3A, %mul3A_733 : i32
    %add3A_735 = vector.broadcast %mul3A_734 : i32 to vector<16xi32>
    %add3A_736 = arith.addi %get3A_732, %add3A_735 : vector<16xi32>
    %swap3A_737 = arith.constant 224 : index
    %swap3A_738 = tpu.vector_load %arg4[%swap3A_737] {strides = array<i32>} : memref<512xi32, #tpu.memory_space<vmem>>, vector<16xi32>,
    %swap3A_739 = vector.shape_cast %swap3A_738 : vector<16xi32> to vector<16xi32>
    %swap3A_740 = vector.shape_cast %add3A_736 : vector<16xi32> to vector<16xi32>
    tpu.vector_store %arg4[%swap3A_737], %swap3A_740 {strides = array<i32>} : memref<512xi32, #tpu.memory_space<vmem>>, vector<16xi32>,
    %swap3A_741 = arith.constant 240 : index
    %swap3A_742 = tpu.vector_load %arg6[%swap3A_741] {strides = array<i32>} : memref<512xf32, #tpu.memory_space<vmem>>, vector<16xf32>,
    %swap3A_743 = vector.shape_cast %swap3A_742 : vector<16xf32> to vector<16xf32>
    %swap3A_744 = vector.shape_cast %broadcast_in_dim3A_5 : vector<16xf32> to vector<16xf32>
    tpu.vector_store %arg6[%swap3A_741], %swap3A_744 {strides = array<i32>} : memref<512xf32, #tpu.memory_space<vmem>>, vector<16xf32>,
    %get3A_745 = arith.constant 240 : index
    %get3A_746 = tpu.vector_load %arg4[%get3A_745] {strides = array<i32>} : memref<512xi32, #tpu.memory_space<vmem>>, vector<16xi32>,
    %get3A_747 = vector.shape_cast %get3A_746 : vector<16xi32> to vector<16xi32>
    %mul3A_748 = arith.constant 2048 : i32
    %mul3A_749 = arith.muli %add3A, %mul3A_748 : i32
    %add3A_750 = vector.broadcast %mul3A_749 : i32 to vector<16xi32>
    %add3A_751 = arith.addi %get3A_747, %add3A_750 : vector<16xi32>
    %swap3A_752 = arith.constant 240 : index
    %swap3A_753 = tpu.vector_load %arg4[%swap3A_752] {strides = array<i32>} : memref<512xi32, #tpu.memory_space<vmem>>, vector<16xi32>,
    %swap3A_754 = vector.shape_cast %swap3A_753 : vector<16xi32> to vector<16xi32>
    %swap3A_755 = vector.shape_cast %add3A_751 : vector<16xi32> to vector<16xi32>
    tpu.vector_store %arg4[%swap3A_752], %swap3A_755 {strides = array<i32>} : memref<512xi32, #tpu.memory_space<vmem>>, vector<16xi32>,
    %swap3A_756 = arith.constant 256 : index
    %swap3A_757 = tpu.vector_load %arg6[%swap3A_756] {strides = array<i32>} : memref<512xf32, #tpu.memory_space<vmem>>, vector<16xf32>,
    %swap3A_758 = vector.shape_cast %swap3A_757 : vector<16xf32> to vector<16xf32>
    %swap3A_759 = vector.shape_cast %broadcast_in_dim3A_5 : vector<16xf32> to vector<16xf32>
    tpu.vector_store %arg6[%swap3A_756], %swap3A_759 {strides = array<i32>} : memref<512xf32, #tpu.memory_space<vmem>>, vector<16xf32>,
    %get3A_760 = arith.constant 256 : index
    %get3A_761 = tpu.vector_load %arg4[%get3A_760] {strides = array<i32>} : memref<512xi32, #tpu.memory_space<vmem>>, vector<16xi32>,
    %get3A_762 = vector.shape_cast %get3A_761 : vector<16xi32> to vector<16xi32>
    %mul3A_763 = arith.constant 2048 : i32
    %mul3A_764 = arith.muli %add3A, %mul3A_763 : i32
    %add3A_765 = vector.broadcast %mul3A_764 : i32 to vector<16xi32>
    %add3A_766 = arith.addi %get3A_762, %add3A_765 : vector<16xi32>
    %swap3A_767 = arith.constant 256 : index
    %swap3A_768 = tpu.vector_load %arg4[%swap3A_767] {strides = array<i32>} : memref<512xi32, #tpu.memory_space<vmem>>, vector<16xi32>,
    %swap3A_769 = vector.shape_cast %swap3A_768 : vector<16xi32> to vector<16xi32>
    %swap3A_770 = vector.shape_cast %add3A_766 : vector<16xi32> to vector<16xi32>
    tpu.vector_store %arg4[%swap3A_767], %swap3A_770 {strides = array<i32>} : memref<512xi32, #tpu.memory_space<vmem>>, vector<16xi32>,
    %swap3A_771 = arith.constant 272 : index
    %swap3A_772 = tpu.vector_load %arg6[%swap3A_771] {strides = array<i32>} : memref<512xf32, #tpu.memory_space<vmem>>, vector<16xf32>,
    %swap3A_773 = vector.shape_cast %swap3A_772 : vector<16xf32> to vector<16xf32>
    %swap3A_774 = vector.shape_cast %broadcast_in_dim3A_5 : vector<16xf32> to vector<16xf32>
    tpu.vector_store %arg6[%swap3A_771], %swap3A_774 {strides = array<i32>} : memref<512xf32, #tpu.memory_space<vmem>>, vector<16xf32>,
    %get3A_775 = arith.constant 272 : index
    %get3A_776 = tpu.vector_load %arg4[%get3A_775] {strides = array<i32>} : memref<512xi32, #tpu.memory_space<vmem>>, vector<16xi32>,
    %get3A_777 = vector.shape_cast %get3A_776 : vector<16xi32> to vector<16xi32>
    %mul3A_778 = arith.constant 2048 : i32
    %mul3A_779 = arith.muli %add3A, %mul3A_778 : i32
    %add3A_780 = vector.broadcast %mul3A_779 : i32 to vector<16xi32>
    %add3A_781 = arith.addi %get3A_777, %add3A_780 : vector<16xi32>
    %swap3A_782 = arith.constant 272 : index
    %swap3A_783 = tpu.vector_load %arg4[%swap3A_782] {strides = array<i32>} : memref<512xi32, #tpu.memory_space<vmem>>, vector<16xi32>,
    %swap3A_784 = vector.shape_cast %swap3A_783 : vector<16xi32> to vector<16xi32>
    %swap3A_785 = vector.shape_cast %add3A_781 : vector<16xi32> to vector<16xi32>
    tpu.vector_store %arg4[%swap3A_782], %swap3A_785 {strides = array<i32>} : memref<512xi32, #tpu.memory_space<vmem>>, vector<16xi32>,
    %swap3A_786 = arith.constant 288 : index
    %swap3A_787 = tpu.vector_load %arg6[%swap3A_786] {strides = array<i32>} : memref<512xf32, #tpu.memory_space<vmem>>, vector<16xf32>,
    %swap3A_788 = vector.shape_cast %swap3A_787 : vector<16xf32> to vector<16xf32>
    %swap3A_789 = vector.shape_cast %broadcast_in_dim3A_5 : vector<16xf32> to vector<16xf32>
    tpu.vector_store %arg6[%swap3A_786], %swap3A_789 {strides = array<i32>} : memref<512xf32, #tpu.memory_space<vmem>>, vector<16xf32>,
    %get3A_790 = arith.constant 288 : index
    %get3A_791 = tpu.vector_load %arg4[%get3A_790] {strides = array<i32>} : memref<512xi32, #tpu.memory_space<vmem>>, vector<16xi32>,
    %get3A_792 = vector.shape_cast %get3A_791 : vector<16xi32> to vector<16xi32>
    %mul3A_793 = arith.constant 2048 : i32
    %mul3A_794 = arith.muli %add3A, %mul3A_793 : i32
    %add3A_795 = vector.broadcast %mul3A_794 : i32 to vector<16xi32>
    %add3A_796 = arith.addi %get3A_792, %add3A_795 : vector<16xi32>
    %swap3A_797 = arith.constant 288 : index
    %swap3A_798 = tpu.vector_load %arg4[%swap3A_797] {strides = array<i32>} : memref<512xi32, #tpu.memory_space<vmem>>, vector<16xi32>,
    %swap3A_799 = vector.shape_cast %swap3A_798 : vector<16xi32> to vector<16xi32>
    %swap3A_800 = vector.shape_cast %add3A_796 : vector<16xi32> to vector<16xi32>
    tpu.vector_store %arg4[%swap3A_797], %swap3A_800 {strides = array<i32>} : memref<512xi32, #tpu.memory_space<vmem>>, vector<16xi32>,
    %swap3A_801 = arith.constant 304 : index
    %swap3A_802 = tpu.vector_load %arg6[%swap3A_801] {strides = array<i32>} : memref<512xf32, #tpu.memory_space<vmem>>, vector<16xf32>,
    %swap3A_803 = vector.shape_cast %swap3A_802 : vector<16xf32> to vector<16xf32>
    %swap3A_804 = vector.shape_cast %broadcast_in_dim3A_5 : vector<16xf32> to vector<16xf32>
    tpu.vector_store %arg6[%swap3A_801], %swap3A_804 {strides = array<i32>} : memref<512xf32, #tpu.memory_space<vmem>>, vector<16xf32>,
    %get3A_805 = arith.constant 304 : index
    %get3A_806 = tpu.vector_load %arg4[%get3A_805] {strides = array<i32>} : memref<512xi32, #tpu.memory_space<vmem>>, vector<16xi32>,
    %get3A_807 = vector.shape_cast %get3A_806 : vector<16xi32> to vector<16xi32>
    %mul3A_808 = arith.constant 2048 : i32
    %mul3A_809 = arith.muli %add3A, %mul3A_808 : i32
    %add3A_810 = vector.broadcast %mul3A_809 : i32 to vector<16xi32>
    %add3A_811 = arith.addi %get3A_807, %add3A_810 : vector<16xi32>
    %swap3A_812 = arith.constant 304 : index
    %swap3A_813 = tpu.vector_load %arg4[%swap3A_812] {strides = array<i32>} : memref<512xi32, #tpu.memory_space<vmem>>, vector<16xi32>,
    %swap3A_814 = vector.shape_cast %swap3A_813 : vector<16xi32> to vector<16xi32>
    %swap3A_815 = vector.shape_cast %add3A_811 : vector<16xi32> to vector<16xi32>
    tpu.vector_store %arg4[%swap3A_812], %swap3A_815 {strides = array<i32>} : memref<512xi32, #tpu.memory_space<vmem>>, vector<16xi32>,
    %swap3A_816 = arith.constant 320 : index
    %swap3A_817 = tpu.vector_load %arg6[%swap3A_816] {strides = array<i32>} : memref<512xf32, #tpu.memory_space<vmem>>, vector<16xf32>,
    %swap3A_818 = vector.shape_cast %swap3A_817 : vector<16xf32> to vector<16xf32>
    %swap3A_819 = vector.shape_cast %broadcast_in_dim3A_5 : vector<16xf32> to vector<16xf32>
    tpu.vector_store %arg6[%swap3A_816], %swap3A_819 {strides = array<i32>} : memref<512xf32, #tpu.memory_space<vmem>>, vector<16xf32>,
    %get3A_820 = arith.constant 320 : index
    %get3A_821 = tpu.vector_load %arg4[%get3A_820] {strides = array<i32>} : memref<512xi32, #tpu.memory_space<vmem>>, vector<16xi32>,
    %get3A_822 = vector.shape_cast %get3A_821 : vector<16xi32> to vector<16xi32>
    %mul3A_823 = arith.constant 2048 : i32
    %mul3A_824 = arith.muli %add3A, %mul3A_823 : i32
    %add3A_825 = vector.broadcast %mul3A_824 : i32 to vector<16xi32>
    %add3A_826 = arith.addi %get3A_822, %add3A_825 : vector<16xi32>
    %swap3A_827 = arith.constant 320 : index
    %swap3A_828 = tpu.vector_load %arg4[%swap3A_827] {strides = array<i32>} : memref<512xi32, #tpu.memory_space<vmem>>, vector<16xi32>,
    %swap3A_829 = vector.shape_cast %swap3A_828 : vector<16xi32> to vector<16xi32>
    %swap3A_830 = vector.shape_cast %add3A_826 : vector<16xi32> to vector<16xi32>
    tpu.vector_store %arg4[%swap3A_827], %swap3A_830 {strides = array<i32>} : memref<512xi32, #tpu.memory_space<vmem>>, vector<16xi32>,
    %swap3A_831 = arith.constant 336 : index
    %swap3A_832 = tpu.vector_load %arg6[%swap3A_831] {strides = array<i32>} : memref<512xf32, #tpu.memory_space<vmem>>, vector<16xf32>,
    %swap3A_833 = vector.shape_cast %swap3A_832 : vector<16xf32> to vector<16xf32>
    %swap3A_834 = vector.shape_cast %broadcast_in_dim3A_5 : vector<16xf32> to vector<16xf32>
    tpu.vector_store %arg6[%swap3A_831], %swap3A_834 {strides = array<i32>} : memref<512xf32, #tpu.memory_space<vmem>>, vector<16xf32>,
    %get3A_835 = arith.constant 336 : index
    %get3A_836 = tpu.vector_load %arg4[%get3A_835] {strides = array<i32>} : memref<512xi32, #tpu.memory_space<vmem>>, vector<16xi32>,
    %get3A_837 = vector.shape_cast %get3A_836 : vector<16xi32> to vector<16xi32>
    %mul3A_838 = arith.constant 2048 : i32
    %mul3A_839 = arith.muli %add3A, %mul3A_838 : i32
    %add3A_840 = vector.broadcast %mul3A_839 : i32 to vector<16xi32>
    %add3A_841 = arith.addi %get3A_837, %add3A_840 : vector<16xi32>
    %swap3A_842 = arith.constant 336 : index
    %swap3A_843 = tpu.vector_load %arg4[%swap3A_842] {strides = array<i32>} : memref<512xi32, #tpu.memory_space<vmem>>, vector<16xi32>,
    %swap3A_844 = vector.shape_cast %swap3A_843 : vector<16xi32> to vector<16xi32>
    %swap3A_845 = vector.shape_cast %add3A_841 : vector<16xi32> to vector<16xi32>
    tpu.vector_store %arg4[%swap3A_842], %swap3A_845 {strides = array<i32>} : memref<512xi32, #tpu.memory_space<vmem>>, vector<16xi32>,
    %swap3A_846 = arith.constant 352 : index
    %swap3A_847 = tpu.vector_load %arg6[%swap3A_846] {strides = array<i32>} : memref<512xf32, #tpu.memory_space<vmem>>, vector<16xf32>,
    %swap3A_848 = vector.shape_cast %swap3A_847 : vector<16xf32> to vector<16xf32>
    %swap3A_849 = vector.shape_cast %broadcast_in_dim3A_5 : vector<16xf32> to vector<16xf32>
    tpu.vector_store %arg6[%swap3A_846], %swap3A_849 {strides = array<i32>} : memref<512xf32, #tpu.memory_space<vmem>>, vector<16xf32>,
    %get3A_850 = arith.constant 352 : index
    %get3A_851 = tpu.vector_load %arg4[%get3A_850] {strides = array<i32>} : memref<512xi32, #tpu.memory_space<vmem>>, vector<16xi32>,
    %get3A_852 = vector.shape_cast %get3A_851 : vector<16xi32> to vector<16xi32>
    %mul3A_853 = arith.constant 2048 : i32
    %mul3A_854 = arith.muli %add3A, %mul3A_853 : i32
    %add3A_855 = vector.broadcast %mul3A_854 : i32 to vector<16xi32>
    %add3A_856 = arith.addi %get3A_852, %add3A_855 : vector<16xi32>
    %swap3A_857 = arith.constant 352 : index
    %swap3A_858 = tpu.vector_load %arg4[%swap3A_857] {strides = array<i32>} : memref<512xi32, #tpu.memory_space<vmem>>, vector<16xi32>,
    %swap3A_859 = vector.shape_cast %swap3A_858 : vector<16xi32> to vector<16xi32>
    %swap3A_860 = vector.shape_cast %add3A_856 : vector<16xi32> to vector<16xi32>
    tpu.vector_store %arg4[%swap3A_857], %swap3A_860 {strides = array<i32>} : memref<512xi32, #tpu.memory_space<vmem>>, vector<16xi32>,
    %swap3A_861 = arith.constant 368 : index
    %swap3A_862 = tpu.vector_load %arg6[%swap3A_861] {strides = array<i32>} : memref<512xf32, #tpu.memory_space<vmem>>, vector<16xf32>,
    %swap3A_863 = vector.shape_cast %swap3A_862 : vector<16xf32> to vector<16xf32>
    %swap3A_864 = vector.shape_cast %broadcast_in_dim3A_5 : vector<16xf32> to vector<16xf32>
    tpu.vector_store %arg6[%swap3A_861], %swap3A_864 {strides = array<i32>} : memref<512xf32, #tpu.memory_space<vmem>>, vector<16xf32>,
    %get3A_865 = arith.constant 368 : index
    %get3A_866 = tpu.vector_load %arg4[%get3A_865] {strides = array<i32>} : memref<512xi32, #tpu.memory_space<vmem>>, vector<16xi32>,
    %get3A_867 = vector.shape_cast %get3A_866 : vector<16xi32> to vector<16xi32>
    %mul3A_868 = arith.constant 2048 : i32
    %mul3A_869 = arith.muli %add3A, %mul3A_868 : i32
    %add3A_870 = vector.broadcast %mul3A_869 : i32 to vector<16xi32>
    %add3A_871 = arith.addi %get3A_867, %add3A_870 : vector<16xi32>
    %swap3A_872 = arith.constant 368 : index
    %swap3A_873 = tpu.vector_load %arg4[%swap3A_872] {strides = array<i32>} : memref<512xi32, #tpu.memory_space<vmem>>, vector<16xi32>,
    %swap3A_874 = vector.shape_cast %swap3A_873 : vector<16xi32> to vector<16xi32>
    %swap3A_875 = vector.shape_cast %add3A_871 : vector<16xi32> to vector<16xi32>
    tpu.vector_store %arg4[%swap3A_872], %swap3A_875 {strides = array<i32>} : memref<512xi32, #tpu.memory_space<vmem>>, vector<16xi32>,
    %swap3A_876 = arith.constant 384 : index
    %swap3A_877 = tpu.vector_load %arg6[%swap3A_876] {strides = array<i32>} : memref<512xf32, #tpu.memory_space<vmem>>, vector<16xf32>,
    %swap3A_878 = vector.shape_cast %swap3A_877 : vector<16xf32> to vector<16xf32>
    %swap3A_879 = vector.shape_cast %broadcast_in_dim3A_5 : vector<16xf32> to vector<16xf32>
    tpu.vector_store %arg6[%swap3A_876], %swap3A_879 {strides = array<i32>} : memref<512xf32, #tpu.memory_space<vmem>>, vector<16xf32>,
    %get3A_880 = arith.constant 384 : index
    %get3A_881 = tpu.vector_load %arg4[%get3A_880] {strides = array<i32>} : memref<512xi32, #tpu.memory_space<vmem>>, vector<16xi32>,
    %get3A_882 = vector.shape_cast %get3A_881 : vector<16xi32> to vector<16xi32>
    %mul3A_883 = arith.constant 2048 : i32
    %mul3A_884 = arith.muli %add3A, %mul3A_883 : i32
    %add3A_885 = vector.broadcast %mul3A_884 : i32 to vector<16xi32>
    %add3A_886 = arith.addi %get3A_882, %add3A_885 : vector<16xi32>
    %swap3A_887 = arith.constant 384 : index
    %swap3A_888 = tpu.vector_load %arg4[%swap3A_887] {strides = array<i32>} : memref<512xi32, #tpu.memory_space<vmem>>, vector<16xi32>,
    %swap3A_889 = vector.shape_cast %swap3A_888 : vector<16xi32> to vector<16xi32>
    %swap3A_890 = vector.shape_cast %add3A_886 : vector<16xi32> to vector<16xi32>
    tpu.vector_store %arg4[%swap3A_887], %swap3A_890 {strides = array<i32>} : memref<512xi32, #tpu.memory_space<vmem>>, vector<16xi32>,
    %swap3A_891 = arith.constant 400 : index
    %swap3A_892 = tpu.vector_load %arg6[%swap3A_891] {strides = array<i32>} : memref<512xf32, #tpu.memory_space<vmem>>, vector<16xf32>,
    %swap3A_893 = vector.shape_cast %swap3A_892 : vector<16xf32> to vector<16xf32>
    %swap3A_894 = vector.shape_cast %broadcast_in_dim3A_5 : vector<16xf32> to vector<16xf32>
    tpu.vector_store %arg6[%swap3A_891], %swap3A_894 {strides = array<i32>} : memref<512xf32, #tpu.memory_space<vmem>>, vector<16xf32>,
    %get3A_895 = arith.constant 400 : index
    %get3A_896 = tpu.vector_load %arg4[%get3A_895] {strides = array<i32>} : memref<512xi32, #tpu.memory_space<vmem>>, vector<16xi32>,
    %get3A_897 = vector.shape_cast %get3A_896 : vector<16xi32> to vector<16xi32>
    %mul3A_898 = arith.constant 2048 : i32
    %mul3A_899 = arith.muli %add3A, %mul3A_898 : i32
    %add3A_900 = vector.broadcast %mul3A_899 : i32 to vector<16xi32>
    %add3A_901 = arith.addi %get3A_897, %add3A_900 : vector<16xi32>
    %swap3A_902 = arith.constant 400 : index
    %swap3A_903 = tpu.vector_load %arg4[%swap3A_902] {strides = array<i32>} : memref<512xi32, #tpu.memory_space<vmem>>, vector<16xi32>,
    %swap3A_904 = vector.shape_cast %swap3A_903 : vector<16xi32> to vector<16xi32>
    %swap3A_905 = vector.shape_cast %add3A_901 : vector<16xi32> to vector<16xi32>
    tpu.vector_store %arg4[%swap3A_902], %swap3A_905 {strides = array<i32>} : memref<512xi32, #tpu.memory_space<vmem>>, vector<16xi32>,
    %swap3A_906 = arith.constant 416 : index
    %swap3A_907 = tpu.vector_load %arg6[%swap3A_906] {strides = array<i32>} : memref<512xf32, #tpu.memory_space<vmem>>, vector<16xf32>,
    %swap3A_908 = vector.shape_cast %swap3A_907 : vector<16xf32> to vector<16xf32>
    %swap3A_909 = vector.shape_cast %broadcast_in_dim3A_5 : vector<16xf32> to vector<16xf32>
    tpu.vector_store %arg6[%swap3A_906], %swap3A_909 {strides = array<i32>} : memref<512xf32, #tpu.memory_space<vmem>>, vector<16xf32>,
    %get3A_910 = arith.constant 416 : index
    %get3A_911 = tpu.vector_load %arg4[%get3A_910] {strides = array<i32>} : memref<512xi32, #tpu.memory_space<vmem>>, vector<16xi32>,
    %get3A_912 = vector.shape_cast %get3A_911 : vector<16xi32> to vector<16xi32>
    %mul3A_913 = arith.constant 2048 : i32
    %mul3A_914 = arith.muli %add3A, %mul3A_913 : i32
    %add3A_915 = vector.broadcast %mul3A_914 : i32 to vector<16xi32>
    %add3A_916 = arith.addi %get3A_912, %add3A_915 : vector<16xi32>
    %swap3A_917 = arith.constant 416 : index
    %swap3A_918 = tpu.vector_load %arg4[%swap3A_917] {strides = array<i32>} : memref<512xi32, #tpu.memory_space<vmem>>, vector<16xi32>,
    %swap3A_919 = vector.shape_cast %swap3A_918 : vector<16xi32> to vector<16xi32>
    %swap3A_920 = vector.shape_cast %add3A_916 : vector<16xi32> to vector<16xi32>
    tpu.vector_store %arg4[%swap3A_917], %swap3A_920 {strides = array<i32>} : memref<512xi32, #tpu.memory_space<vmem>>, vector<16xi32>,
    %swap3A_921 = arith.constant 432 : index
    %swap3A_922 = tpu.vector_load %arg6[%swap3A_921] {strides = array<i32>} : memref<512xf32, #tpu.memory_space<vmem>>, vector<16xf32>,
    %swap3A_923 = vector.shape_cast %swap3A_922 : vector<16xf32> to vector<16xf32>
    %swap3A_924 = vector.shape_cast %broadcast_in_dim3A_5 : vector<16xf32> to vector<16xf32>
    tpu.vector_store %arg6[%swap3A_921], %swap3A_924 {strides = array<i32>} : memref<512xf32, #tpu.memory_space<vmem>>, vector<16xf32>,
    %get3A_925 = arith.constant 432 : index
    %get3A_926 = tpu.vector_load %arg4[%get3A_925] {strides = array<i32>} : memref<512xi32, #tpu.memory_space<vmem>>, vector<16xi32>,
    %get3A_927 = vector.shape_cast %get3A_926 : vector<16xi32> to vector<16xi32>
    %mul3A_928 = arith.constant 2048 : i32
    %mul3A_929 = arith.muli %add3A, %mul3A_928 : i32
    %add3A_930 = vector.broadcast %mul3A_929 : i32 to vector<16xi32>
    %add3A_931 = arith.addi %get3A_927, %add3A_930 : vector<16xi32>
    %swap3A_932 = arith.constant 432 : index
    %swap3A_933 = tpu.vector_load %arg4[%swap3A_932] {strides = array<i32>} : memref<512xi32, #tpu.memory_space<vmem>>, vector<16xi32>,
    %swap3A_934 = vector.shape_cast %swap3A_933 : vector<16xi32> to vector<16xi32>
    %swap3A_935 = vector.shape_cast %add3A_931 : vector<16xi32> to vector<16xi32>
    tpu.vector_store %arg4[%swap3A_932], %swap3A_935 {strides = array<i32>} : memref<512xi32, #tpu.memory_space<vmem>>, vector<16xi32>,
    %swap3A_936 = arith.constant 448 : index
    %swap3A_937 = tpu.vector_load %arg6[%swap3A_936] {strides = array<i32>} : memref<512xf32, #tpu.memory_space<vmem>>, vector<16xf32>,
    %swap3A_938 = vector.shape_cast %swap3A_937 : vector<16xf32> to vector<16xf32>
    %swap3A_939 = vector.shape_cast %broadcast_in_dim3A_5 : vector<16xf32> to vector<16xf32>
    tpu.vector_store %arg6[%swap3A_936], %swap3A_939 {strides = array<i32>} : memref<512xf32, #tpu.memory_space<vmem>>, vector<16xf32>,
    %get3A_940 = arith.constant 448 : index
    %get3A_941 = tpu.vector_load %arg4[%get3A_940] {strides = array<i32>} : memref<512xi32, #tpu.memory_space<vmem>>, vector<16xi32>,
    %get3A_942 = vector.shape_cast %get3A_941 : vector<16xi32> to vector<16xi32>
    %mul3A_943 = arith.constant 2048 : i32
    %mul3A_944 = arith.muli %add3A, %mul3A_943 : i32
    %add3A_945 = vector.broadcast %mul3A_944 : i32 to vector<16xi32>
    %add3A_946 = arith.addi %get3A_942, %add3A_945 : vector<16xi32>
    %swap3A_947 = arith.constant 448 : index
    %swap3A_948 = tpu.vector_load %arg4[%swap3A_947] {strides = array<i32>} : memref<512xi32, #tpu.memory_space<vmem>>, vector<16xi32>,
    %swap3A_949 = vector.shape_cast %swap3A_948 : vector<16xi32> to vector<16xi32>
    %swap3A_950 = vector.shape_cast %add3A_946 : vector<16xi32> to vector<16xi32>
    tpu.vector_store %arg4[%swap3A_947], %swap3A_950 {strides = array<i32>} : memref<512xi32, #tpu.memory_space<vmem>>, vector<16xi32>,
    %swap3A_951 = arith.constant 464 : index
    %swap3A_952 = tpu.vector_load %arg6[%swap3A_951] {strides = array<i32>} : memref<512xf32, #tpu.memory_space<vmem>>, vector<16xf32>,
    %swap3A_953 = vector.shape_cast %swap3A_952 : vector<16xf32> to vector<16xf32>
    %swap3A_954 = vector.shape_cast %broadcast_in_dim3A_5 : vector<16xf32> to vector<16xf32>
    tpu.vector_store %arg6[%swap3A_951], %swap3A_954 {strides = array<i32>} : memref<512xf32, #tpu.memory_space<vmem>>, vector<16xf32>,
    %get3A_955 = arith.constant 464 : index
    %get3A_956 = tpu.vector_load %arg4[%get3A_955] {strides = array<i32>} : memref<512xi32, #tpu.memory_space<vmem>>, vector<16xi32>,
    %get3A_957 = vector.shape_cast %get3A_956 : vector<16xi32> to vector<16xi32>
    %mul3A_958 = arith.constant 2048 : i32
    %mul3A_959 = arith.muli %add3A, %mul3A_958 : i32
    %add3A_960 = vector.broadcast %mul3A_959 : i32 to vector<16xi32>
    %add3A_961 = arith.addi %get3A_957, %add3A_960 : vector<16xi32>
    %swap3A_962 = arith.constant 464 : index
    %swap3A_963 = tpu.vector_load %arg4[%swap3A_962] {strides = array<i32>} : memref<512xi32, #tpu.memory_space<vmem>>, vector<16xi32>,
    %swap3A_964 = vector.shape_cast %swap3A_963 : vector<16xi32> to vector<16xi32>
    %swap3A_965 = vector.shape_cast %add3A_961 : vector<16xi32> to vector<16xi32>
    tpu.vector_store %arg4[%swap3A_962], %swap3A_965 {strides = array<i32>} : memref<512xi32, #tpu.memory_space<vmem>>, vector<16xi32>,
    %swap3A_966 = arith.constant 480 : index
    %swap3A_967 = tpu.vector_load %arg6[%swap3A_966] {strides = array<i32>} : memref<512xf32, #tpu.memory_space<vmem>>, vector<16xf32>,
    %swap3A_968 = vector.shape_cast %swap3A_967 : vector<16xf32> to vector<16xf32>
    %swap3A_969 = vector.shape_cast %broadcast_in_dim3A_5 : vector<16xf32> to vector<16xf32>
    tpu.vector_store %arg6[%swap3A_966], %swap3A_969 {strides = array<i32>} : memref<512xf32, #tpu.memory_space<vmem>>, vector<16xf32>,
    %get3A_970 = arith.constant 480 : index
    %get3A_971 = tpu.vector_load %arg4[%get3A_970] {strides = array<i32>} : memref<512xi32, #tpu.memory_space<vmem>>, vector<16xi32>,
    %get3A_972 = vector.shape_cast %get3A_971 : vector<16xi32> to vector<16xi32>
    %mul3A_973 = arith.constant 2048 : i32
    %mul3A_974 = arith.muli %add3A, %mul3A_973 : i32
    %add3A_975 = vector.broadcast %mul3A_974 : i32 to vector<16xi32>
    %add3A_976 = arith.addi %get3A_972, %add3A_975 : vector<16xi32>
    %swap3A_977 = arith.constant 480 : index
    %swap3A_978 = tpu.vector_load %arg4[%swap3A_977] {strides = array<i32>} : memref<512xi32, #tpu.memory_space<vmem>>, vector<16xi32>,
    %swap3A_979 = vector.shape_cast %swap3A_978 : vector<16xi32> to vector<16xi32>
    %swap3A_980 = vector.shape_cast %add3A_976 : vector<16xi32> to vector<16xi32>
    tpu.vector_store %arg4[%swap3A_977], %swap3A_980 {strides = array<i32>} : memref<512xi32, #tpu.memory_space<vmem>>, vector<16xi32>,
    %swap3A_981 = arith.constant 496 : index
    %swap3A_982 = tpu.vector_load %arg6[%swap3A_981] {strides = array<i32>} : memref<512xf32, #tpu.memory_space<vmem>>, vector<16xf32>,
    %swap3A_983 = vector.shape_cast %swap3A_982 : vector<16xf32> to vector<16xf32>
    %swap3A_984 = vector.shape_cast %broadcast_in_dim3A_5 : vector<16xf32> to vector<16xf32>
    tpu.vector_store %arg6[%swap3A_981], %swap3A_984 {strides = array<i32>} : memref<512xf32, #tpu.memory_space<vmem>>, vector<16xf32>,
    %get3A_985 = arith.constant 496 : index
    %get3A_986 = tpu.vector_load %arg4[%get3A_985] {strides = array<i32>} : memref<512xi32, #tpu.memory_space<vmem>>, vector<16xi32>,
    %get3A_987 = vector.shape_cast %get3A_986 : vector<16xi32> to vector<16xi32>
    %mul3A_988 = arith.constant 2048 : i32
    %mul3A_989 = arith.muli %add3A, %mul3A_988 : i32
    %add3A_990 = vector.broadcast %mul3A_989 : i32 to vector<16xi32>
    %add3A_991 = arith.addi %get3A_987, %add3A_990 : vector<16xi32>
    %swap3A_992 = arith.constant 496 : index
    %swap3A_993 = tpu.vector_load %arg4[%swap3A_992] {strides = array<i32>} : memref<512xi32, #tpu.memory_space<vmem>>, vector<16xi32>,
    %swap3A_994 = vector.shape_cast %swap3A_993 : vector<16xi32> to vector<16xi32>
    %swap3A_995 = vector.shape_cast %add3A_991 : vector<16xi32> to vector<16xi32>
    tpu.vector_store %arg4[%swap3A_992], %swap3A_995 {strides = array<i32>} : memref<512xi32, #tpu.memory_space<vmem>>, vector<16xi32>,
    %mul3A_996 = arith.constant 2048 : i32
    %mul3A_997 = arith.muli %add3A, %mul3A_996 : i32
    "tpu.region"() ({
      %run_scoped3A = tpu.sem_alloc : memref<!tpu.dma_semaphore, #tpu.memory_space<semaphore_mem>>
      %dma_start3A = tpu.memref_slice %arg3[%mul3A_997] : memref<65536xf32, #tpu.memory_space<hbm>> -> memref<2048xf32, #tpu.memory_space<hbm>>
      %dma_start3A_998 = tpu.memref_slice %arg3[%mul3A_997] : memref<65536xf32, #tpu.memory_space<hbm>> -> memref<2048xf32, #tpu.memory_space<hbm>>
      tpu.enqueue_dma source(%arg5 : memref<2048xf32, #tpu.memory_space<vmem>>) target(%dma_start3A_998 : memref<2048xf32, #tpu.memory_space<hbm>>) target_semaphore(%run_scoped3A : memref<!tpu.dma_semaphore, #tpu.memory_space<semaphore_mem>>)
      %dma_wait3A = tpu.memref_slice %arg3[%mul3A_997] : memref<65536xf32, #tpu.memory_space<hbm>> -> memref<2048xf32, #tpu.memory_space<hbm>>
      %dma_wait3A_999 = tpu.memref_slice %arg3[%mul3A_997] : memref<65536xf32, #tpu.memory_space<hbm>> -> memref<2048xf32, #tpu.memory_space<hbm>>
      tpu.wait_dma2 semaphore(%run_scoped3A : memref<!tpu.dma_semaphore, #tpu.memory_space<semaphore_mem>>) src(%arg5 : memref<2048xf32, #tpu.memory_space<vmem>>) dst(%dma_wait3A_999 : memref<2048xf32, #tpu.memory_space<hbm>>)
      tpu.yield
    }) : () -> ()
    "tpu.region"() ({
      %run_scoped3A = tpu.sem_alloc : memref<!tpu.dma_semaphore, #tpu.memory_space<semaphore_mem>>
      %dma_start3A = arith.constant 0 : i32
      %dma_start3A_998 = tpu.memref_slice %arg3[%dma_start3A] : memref<65536xf32, #tpu.memory_space<hbm>> -> memref<65536xf32, #tpu.memory_space<hbm>>
      tpu.enqueue_indirect_dma source(%arg6 : memref<512xf32, #tpu.memory_space<vmem>>) target(%dma_start3A_998 : memref<65536xf32, #tpu.memory_space<hbm>>) offsets(%arg4 : memref<512xi32, #tpu.memory_space<vmem>>) semaphore(%run_scoped3A : memref<!tpu.dma_semaphore, #tpu.memory_space<semaphore_mem>>)
      %dma_wait3A = arith.constant 0 : i32
      %dma_wait3A_999 = tpu.memref_slice %arg3[%dma_wait3A] : memref<65536xf32, #tpu.memory_space<hbm>> -> memref<65536xf32, #tpu.memory_space<hbm>>
      tpu.wait_indirect_dma semaphore(%run_scoped3A : memref<!tpu.dma_semaphore, #tpu.memory_space<semaphore_mem>>) src(%arg6 : memref<512xf32, #tpu.memory_space<vmem>>) dst(%dma_wait3A_999 : memref<65536xf32, #tpu.memory_space<hbm>>)
      tpu.yield
    }) : () -> ()
    return
  }
}

module attributes {stable_mosaic.version = 14 : i64} {
  func.func @_attn_body(%arg0: i32, %arg1: i32, %arg2: memref<1x128x128xf32, #tpu.memory_space<vmem>>, %arg3: memref<1x128x128xf32, #tpu.memory_space<vmem>>, %arg4: memref<1x1024x128xbf16, #tpu.memory_space<vmem>>, %arg5: memref<1x1024x128xbf16, #tpu.memory_space<vmem>>, %arg6: memref<1x1x1024xbf16, #tpu.memory_space<vmem>>, %arg7: memref<1x128x4096xbf16, #tpu.memory_space<vmem>>, %arg8: memref<1x1x128xf32, #tpu.memory_space<vmem>>, %arg9: memref<1x1x128xi32, #tpu.memory_space<vmem>>, %arg10: memref<1x128x128xf32, #tpu.memory_space<vmem>>) attributes {dimension_semantics = [#tpu.dimension_semantics<arbitrary>, #tpu.dimension_semantics<arbitrary>], iteration_bounds = array<i64: 16, 8>, scalar_prefetch = 0 : i64, scratch_operands = 0 : i64, tpu.core_type = #tpu.core_type<tc>, window_params = [{transform_indices = @transform_0, window_bounds = array<i64: 1, 128, 128>}, {transform_indices = @transform_1, window_bounds = array<i64: 1, 128, 128>}, {transform_indices = @transform_2, window_bounds = array<i64: 1, 1024, 128>}, {transform_indices = @transform_3, window_bounds = array<i64: 1, 1024, 128>}, {transform_indices = @transform_4, window_bounds = array<i64: 1, 1, 1024>}, {transform_indices = @transform_5, window_bounds = array<i64: 1, 128, 4096>}, {transform_indices = @transform_6, window_bounds = array<i64: 1, 1, 128>}, {transform_indices = @transform_7, window_bounds = array<i64: 1, 1, 128>}, {transform_indices = @transform_8, window_bounds = array<i64: 1, 128, 128>}]} {
    %add3A = arith.constant 0 : i32
    %add3A_0 = arith.addi %add3A, %arg1 : i32
    %get3A = arith.constant 0 : index
    %get3A_1 = arith.constant 0 : index
    %get3A_2 = arith.constant 0 : index
    %get3A_3 = vector.load %arg3[%get3A, %get3A_1, %get3A_2] : memref<1x128x128xf32, #tpu.memory_space<vmem>>, vector<1x128x128xf32>
    %get3A_4 = vector.shape_cast %get3A_3 : vector<1x128x128xf32> to vector<128x128xf32>
    %mul3A = arith.constant 0.0883883461 : f32
    %mul3A_5 = vector.broadcast %mul3A : f32 to vector<128x128xf32>
    %mul3A_6 = arith.mulf %get3A_4, %mul3A_5 : vector<128x128xf32>
    %convert_element_type3A = arith.truncf %mul3A_6 : vector<128x128xf32> to vector<128x128xbf16>
    %get3A_7 = arith.constant 0 : index
    %get3A_8 = arith.constant 0 : index
    %get3A_9 = arith.constant 0 : index
    %get3A_10 = vector.load %arg4[%get3A_7, %get3A_8, %get3A_9] : memref<1x1024x128xbf16, #tpu.memory_space<vmem>>, vector<1x1024x128xbf16>
    %get3A_11 = vector.shape_cast %get3A_10 : vector<1x1024x128xbf16> to vector<1024x128xbf16>
    %dot_general3A = arith.constant dense<0.000000e+00> : vector<128x1024xf32>
    %dot_general3A_12 = tpu.matmul %convert_element_type3A, %get3A_11, %dot_general3A {dimension_numbers = #tpu.dot_dimension_numbers<[1], [1], [0], [0], [0, 0, 1, 0], [], []>, transpose_lhs_hint = false} : vector<128x128xbf16>, vector<1024x128xbf16>, vector<128x1024xf32> -> vector<128x1024xf32>
    %sub3A = arith.constant 15 : i32
    %sub3A_13 = arith.subi %sub3A, %add3A_0 : i32
    %mul3A_14 = arith.constant 128 : i32
    %mul3A_15 = arith.muli %sub3A_13, %mul3A_14 : i32
    %get3A_16 = arith.constant 0 : index
    %get3A_17 = arith.constant 0 : index
    %get3A_18 = arith.index_cast %mul3A_15 : i32 to index
    %get3A_19 = vector.load %arg7[%get3A_16, %get3A_17, %get3A_18] : memref<1x128x4096xbf16, #tpu.memory_space<vmem>>, vector<1x128x1024xbf16>
    %get3A_20 = vector.shape_cast %get3A_19 : vector<1x128x1024xbf16> to vector<128x1024xbf16>
    %get3A_21 = arith.constant 0 : index
    %get3A_22 = arith.constant 0 : index
    %get3A_23 = arith.constant 0 : index
    %get3A_24 = vector.load %arg6[%get3A_21, %get3A_22, %get3A_23] : memref<1x1x1024xbf16, #tpu.memory_space<vmem>>, vector<1x1x1024xbf16>
    %get3A_25 = vector.shape_cast %get3A_24 : vector<1x1x1024xbf16> to vector<1x1024xbf16>
    %max3A = vector.broadcast %get3A_25 : vector<1x1024xbf16> to vector<128x1024xbf16>
    %max3A_26 = arith.maximumf %get3A_20, %max3A : vector<128x1024xbf16>
    %mul3A_27 = arith.constant 128 : i32
    %mul3A_28 = arith.muli %add3A_0, %mul3A_27 : i32
    %iota3A = tpu.iota {dimensions = array<i32: 0>} : vector<128x1024xi32>
    %add3A_29 = vector.broadcast %mul3A_28 : i32 to vector<128x1024xi32>
    %add3A_30 = arith.addi %add3A_29, %iota3A : vector<128x1024xi32>
    %iota3A_31 = tpu.iota {dimensions = array<i32: 1>} : vector<128x1024xi32>
    %le3A = arith.cmpi sle, %iota3A_31, %add3A_30 : vector<128x1024xi32>
    %convert_element_type3A_32 = arith.extf %max3A_26 : vector<128x1024xbf16> to vector<128x1024xf32>
    %add3A_33 = arith.addf %dot_general3A_12, %convert_element_type3A_32 : vector<128x1024xf32>
    %jit3A = arith.constant -1.000000e+09 : f32
    %broadcast_in_dim3A = vector.broadcast %jit3A : f32 to vector<128x1024xf32>
    %select_n3A = arith.select %le3A, %add3A_33, %broadcast_in_dim3A : vector<128x1024xi1>, vector<128x1024xf32>
    %reduce_max3A = arith.constant dense<0xFF800000> : vector<128xf32>
    %reduce_max3A_34 = vector.multi_reduction <maximumf>, %select_n3A, %reduce_max3A [1] : vector<128x1024xf32> to vector<128xf32>
    %broadcast_in_dim3A_35 = vector.shape_cast %reduce_max3A_34 : vector<128xf32> to vector<128x1xf32>
    %sub3A_36 = vector.broadcast %broadcast_in_dim3A_35 : vector<128x1xf32> to vector<128x1024xf32>
    %sub3A_37 = arith.subf %select_n3A, %sub3A_36 : vector<128x1024xf32>
    %exp3A = math.exp %sub3A_37 : vector<128x1024xf32>
    %reduce_sum3A = arith.constant dense<0.000000e+00> : vector<128xf32>
    %reduce_sum3A_38 = vector.multi_reduction <add>, %exp3A, %reduce_sum3A [1] : vector<128x1024xf32> to vector<128xf32>
    %broadcast_in_dim3A_39 = vector.shape_cast %reduce_sum3A_38 : vector<128xf32> to vector<128x1xf32>
    %div3A = arith.constant 1.000000e+00 : f32
    %div3A_40 = vector.broadcast %div3A : f32 to vector<128x1xf32>
    %div3A_41 = arith.divf %div3A_40, %broadcast_in_dim3A_39 : vector<128x1xf32>
    %mul3A_42 = vector.broadcast %div3A_41 : vector<128x1xf32> to vector<128x1024xf32>
    %mul3A_43 = arith.mulf %exp3A, %mul3A_42 : vector<128x1024xf32>
    %convert_element_type3A_44 = arith.truncf %mul3A_43 : vector<128x1024xf32> to vector<128x1024xbf16>
    %get3A_45 = arith.constant 0 : index
    %get3A_46 = arith.constant 0 : index
    %get3A_47 = arith.constant 0 : index
    %get3A_48 = vector.load %arg5[%get3A_45, %get3A_46, %get3A_47] : memref<1x1024x128xbf16, #tpu.memory_space<vmem>>, vector<1x1024x128xbf16>
    %get3A_49 = vector.shape_cast %get3A_48 : vector<1x1024x128xbf16> to vector<1024x128xbf16>
    %dot_general3A_50 = arith.constant dense<0.000000e+00> : vector<128x128xf32>
    %dot_general3A_51 = tpu.matmul %convert_element_type3A_44, %get3A_49, %dot_general3A_50 {dimension_numbers = #tpu.dot_dimension_numbers<[1], [0], [0], [1], [0, 0, 1, 1], [], []>, transpose_lhs_hint = false} : vector<128x1024xbf16>, vector<1024x128xbf16>, vector<128x128xf32> -> vector<128x128xf32>
    %mul3A_52 = arith.constant 128 : i32
    %mul3A_53 = arith.muli %add3A_0, %mul3A_52 : i32
    %iota3A_54 = tpu.iota {dimensions = array<i32: 0>} : vector<128x128xi32>
    %add3A_55 = vector.broadcast %mul3A_53 : i32 to vector<128x128xi32>
    %add3A_56 = arith.addi %add3A_55, %iota3A_54 : vector<128x128xi32>
    %get3A_57 = arith.constant 0 : index
    %get3A_58 = arith.constant 0 : index
    %get3A_59 = arith.constant 0 : index
    %get3A_60 = vector.load %arg9[%get3A_57, %get3A_58, %get3A_59] : memref<1x1x128xi32, #tpu.memory_space<vmem>>, vector<1x1x128xi32>
    %get3A_61 = vector.shape_cast %get3A_60 : vector<1x1x128xi32> to vector<1x128xi32>
    %lt3A = vector.broadcast %get3A_61 : vector<1x128xi32> to vector<128x128xi32>
    %lt3A_62 = arith.cmpi slt, %add3A_56, %lt3A : vector<128x128xi32>
    %get3A_63 = arith.constant 0 : index
    %get3A_64 = arith.constant 0 : index
    %get3A_65 = arith.constant 0 : index
    %get3A_66 = vector.load %arg8[%get3A_63, %get3A_64, %get3A_65] : memref<1x1x128xf32, #tpu.memory_space<vmem>>, vector<1x1x128xf32>
    %get3A_67 = vector.shape_cast %get3A_66 : vector<1x1x128xf32> to vector<1x128xf32>
    %broadcast_in_dim3A_68 = vector.shape_cast %get3A_67 : vector<1x128xf32> to vector<1x128xf32>
    %broadcast_in_dim3A_69 = vector.broadcast %broadcast_in_dim3A_68 : vector<1x128xf32> to vector<128x128xf32>
    %select_n3A_70 = arith.select %lt3A_62, %broadcast_in_dim3A_69, %dot_general3A_51 : vector<128x128xi1>, vector<128x128xf32>
    %swap3A = arith.constant 0 : index
    %swap3A_71 = arith.constant 0 : index
    %swap3A_72 = arith.constant 0 : index
    %swap3A_73 = vector.load %arg10[%swap3A, %swap3A_71, %swap3A_72] : memref<1x128x128xf32, #tpu.memory_space<vmem>>, vector<1x128x128xf32>
    %swap3A_74 = vector.shape_cast %swap3A_73 : vector<1x128x128xf32> to vector<128x128xf32>
    %swap3A_75 = vector.shape_cast %select_n3A_70 : vector<128x128xf32> to vector<1x128x128xf32>
    tpu.vector_store %arg10[%swap3A, %swap3A_71, %swap3A_72], %swap3A_75 {strides = array<i32>} : memref<1x128x128xf32, #tpu.memory_space<vmem>>, vector<1x128x128xf32>,
    return
  }
  func.func @transform_0(%arg0: i32, %arg1: i32) -> (i32, i32, i32) {
    %add3A = arith.constant 0 : i32
    %add3A_0 = arith.addi %add3A, %arg1 : i32
    %c0_i32 = arith.constant 0 : i32
    %c0_i32_1 = arith.constant 0 : i32
    return %arg0, %add3A_0, %c0_i32 : i32, i32, i32
  }
  func.func @transform_1(%arg0: i32, %arg1: i32) -> (i32, i32, i32) {
    %add3A = arith.constant 0 : i32
    %add3A_0 = arith.addi %add3A, %arg1 : i32
    %c0_i32 = arith.constant 0 : i32
    %c0_i32_1 = arith.constant 0 : i32
    return %arg0, %add3A_0, %c0_i32 : i32, i32, i32
  }
  func.func @transform_2(%arg0: i32, %arg1: i32) -> (i32, i32, i32) {
    %c0_i32 = arith.constant 0 : i32
    %c0_i32_0 = arith.constant 0 : i32
    %c0_i32_1 = arith.constant 0 : i32
    return %arg0, %c0_i32, %c0_i32_0 : i32, i32, i32
  }
  func.func @transform_3(%arg0: i32, %arg1: i32) -> (i32, i32, i32) {
    %c0_i32 = arith.constant 0 : i32
    %c0_i32_0 = arith.constant 0 : i32
    %c0_i32_1 = arith.constant 0 : i32
    return %arg0, %c0_i32, %c0_i32_0 : i32, i32, i32
  }
  func.func @transform_4(%arg0: i32, %arg1: i32) -> (i32, i32, i32) {
    %c0_i32 = arith.constant 0 : i32
    %c0_i32_0 = arith.constant 0 : i32
    %c0_i32_1 = arith.constant 0 : i32
    return %arg0, %c0_i32, %c0_i32_0 : i32, i32, i32
  }
  func.func @transform_5(%arg0: i32, %arg1: i32) -> (i32, i32, i32) {
    %c0_i32 = arith.constant 0 : i32
    %c0_i32_0 = arith.constant 0 : i32
    %c0_i32_1 = arith.constant 0 : i32
    return %arg0, %c0_i32, %c0_i32_0 : i32, i32, i32
  }
  func.func @transform_6(%arg0: i32, %arg1: i32) -> (i32, i32, i32) {
    %c0_i32 = arith.constant 0 : i32
    %c0_i32_0 = arith.constant 0 : i32
    %c0_i32_1 = arith.constant 0 : i32
    return %arg0, %c0_i32, %c0_i32_0 : i32, i32, i32
  }
  func.func @transform_7(%arg0: i32, %arg1: i32) -> (i32, i32, i32) {
    %c0_i32 = arith.constant 0 : i32
    %c0_i32_0 = arith.constant 0 : i32
    %c0_i32_1 = arith.constant 0 : i32
    return %arg0, %c0_i32, %c0_i32_0 : i32, i32, i32
  }
  func.func @transform_8(%arg0: i32, %arg1: i32) -> (i32, i32, i32) {
    %add3A = arith.constant 0 : i32
    %add3A_0 = arith.addi %add3A, %arg1 : i32
    %c0_i32 = arith.constant 0 : i32
    %c0_i32_1 = arith.constant 0 : i32
    return %arg0, %add3A_0, %c0_i32 : i32, i32, i32
  }
}

module attributes {stable_mosaic.version = 14 : i64} {
  func.func @_attn_body(%arg0: i32, %arg1: i32, %arg2: memref<1x128x128xf32, #tpu.memory_space<vmem>>, %arg3: memref<1x128x128xf32, #tpu.memory_space<vmem>>, %arg4: memref<1x2048x128xbf16, #tpu.memory_space<vmem>>, %arg5: memref<1x2048x128xbf16, #tpu.memory_space<vmem>>, %arg6: memref<1x1x2048xbf16, #tpu.memory_space<vmem>>, %arg7: memref<1x128x4096xbf16, #tpu.memory_space<vmem>>, %arg8: memref<1x1x128xf32, #tpu.memory_space<vmem>>, %arg9: memref<1x1x128xi32, #tpu.memory_space<vmem>>, %arg10: memref<1x128x128xf32, #tpu.memory_space<vmem>>) attributes {dimension_semantics = [#tpu.dimension_semantics<arbitrary>, #tpu.dimension_semantics<arbitrary>], iteration_bounds = array<i64: 16, 8>, scalar_prefetch = 0 : i64, scratch_operands = 0 : i64, tpu.core_type = #tpu.core_type<tc>, window_params = [{transform_indices = @transform_0, window_bounds = array<i64: 1, 128, 128>}, {transform_indices = @transform_1, window_bounds = array<i64: 1, 128, 128>}, {transform_indices = @transform_2, window_bounds = array<i64: 1, 2048, 128>}, {transform_indices = @transform_3, window_bounds = array<i64: 1, 2048, 128>}, {transform_indices = @transform_4, window_bounds = array<i64: 1, 1, 2048>}, {transform_indices = @transform_5, window_bounds = array<i64: 1, 128, 4096>}, {transform_indices = @transform_6, window_bounds = array<i64: 1, 1, 128>}, {transform_indices = @transform_7, window_bounds = array<i64: 1, 1, 128>}, {transform_indices = @transform_8, window_bounds = array<i64: 1, 128, 128>}]} {
    %add3A = arith.constant 8 : i32
    %add3A_0 = arith.addi %add3A, %arg1 : i32
    %get3A = arith.constant 0 : index
    %get3A_1 = arith.constant 0 : index
    %get3A_2 = arith.constant 0 : index
    %get3A_3 = vector.load %arg3[%get3A, %get3A_1, %get3A_2] : memref<1x128x128xf32, #tpu.memory_space<vmem>>, vector<1x128x128xf32>
    %get3A_4 = vector.shape_cast %get3A_3 : vector<1x128x128xf32> to vector<128x128xf32>
    %mul3A = arith.constant 0.0883883461 : f32
    %mul3A_5 = vector.broadcast %mul3A : f32 to vector<128x128xf32>
    %mul3A_6 = arith.mulf %get3A_4, %mul3A_5 : vector<128x128xf32>
    %convert_element_type3A = arith.truncf %mul3A_6 : vector<128x128xf32> to vector<128x128xbf16>
    %get3A_7 = arith.constant 0 : index
    %get3A_8 = arith.constant 0 : index
    %get3A_9 = arith.constant 0 : index
    %get3A_10 = vector.load %arg4[%get3A_7, %get3A_8, %get3A_9] : memref<1x2048x128xbf16, #tpu.memory_space<vmem>>, vector<1x2048x128xbf16>
    %get3A_11 = vector.shape_cast %get3A_10 : vector<1x2048x128xbf16> to vector<2048x128xbf16>
    %dot_general3A = arith.constant dense<0.000000e+00> : vector<128x2048xf32>
    %dot_general3A_12 = tpu.matmul %convert_element_type3A, %get3A_11, %dot_general3A {dimension_numbers = #tpu.dot_dimension_numbers<[1], [1], [0], [0], [0, 0, 1, 0], [], []>, transpose_lhs_hint = false} : vector<128x128xbf16>, vector<2048x128xbf16>, vector<128x2048xf32> -> vector<128x2048xf32>
    %sub3A = arith.constant 15 : i32
    %sub3A_13 = arith.subi %sub3A, %add3A_0 : i32
    %mul3A_14 = arith.constant 128 : i32
    %mul3A_15 = arith.muli %sub3A_13, %mul3A_14 : i32
    %get3A_16 = arith.constant 0 : index
    %get3A_17 = arith.constant 0 : index
    %get3A_18 = arith.index_cast %mul3A_15 : i32 to index
    %get3A_19 = vector.load %arg7[%get3A_16, %get3A_17, %get3A_18] : memref<1x128x4096xbf16, #tpu.memory_space<vmem>>, vector<1x128x2048xbf16>
    %get3A_20 = vector.shape_cast %get3A_19 : vector<1x128x2048xbf16> to vector<128x2048xbf16>
    %get3A_21 = arith.constant 0 : index
    %get3A_22 = arith.constant 0 : index
    %get3A_23 = arith.constant 0 : index
    %get3A_24 = vector.load %arg6[%get3A_21, %get3A_22, %get3A_23] : memref<1x1x2048xbf16, #tpu.memory_space<vmem>>, vector<1x1x2048xbf16>
    %get3A_25 = vector.shape_cast %get3A_24 : vector<1x1x2048xbf16> to vector<1x2048xbf16>
    %max3A = vector.broadcast %get3A_25 : vector<1x2048xbf16> to vector<128x2048xbf16>
    %max3A_26 = arith.maximumf %get3A_20, %max3A : vector<128x2048xbf16>
    %mul3A_27 = arith.constant 128 : i32
    %mul3A_28 = arith.muli %add3A_0, %mul3A_27 : i32
    %iota3A = tpu.iota {dimensions = array<i32: 0>} : vector<128x2048xi32>
    %add3A_29 = vector.broadcast %mul3A_28 : i32 to vector<128x2048xi32>
    %add3A_30 = arith.addi %add3A_29, %iota3A : vector<128x2048xi32>
    %iota3A_31 = tpu.iota {dimensions = array<i32: 1>} : vector<128x2048xi32>
    %le3A = arith.cmpi sle, %iota3A_31, %add3A_30 : vector<128x2048xi32>
    %convert_element_type3A_32 = arith.extf %max3A_26 : vector<128x2048xbf16> to vector<128x2048xf32>
    %add3A_33 = arith.addf %dot_general3A_12, %convert_element_type3A_32 : vector<128x2048xf32>
    %jit3A = arith.constant -1.000000e+09 : f32
    %broadcast_in_dim3A = vector.broadcast %jit3A : f32 to vector<128x2048xf32>
    %select_n3A = arith.select %le3A, %add3A_33, %broadcast_in_dim3A : vector<128x2048xi1>, vector<128x2048xf32>
    %reduce_max3A = arith.constant dense<0xFF800000> : vector<128xf32>
    %reduce_max3A_34 = vector.multi_reduction <maximumf>, %select_n3A, %reduce_max3A [1] : vector<128x2048xf32> to vector<128xf32>
    %broadcast_in_dim3A_35 = vector.shape_cast %reduce_max3A_34 : vector<128xf32> to vector<128x1xf32>
    %sub3A_36 = vector.broadcast %broadcast_in_dim3A_35 : vector<128x1xf32> to vector<128x2048xf32>
    %sub3A_37 = arith.subf %select_n3A, %sub3A_36 : vector<128x2048xf32>
    %exp3A = math.exp %sub3A_37 : vector<128x2048xf32>
    %reduce_sum3A = arith.constant dense<0.000000e+00> : vector<128xf32>
    %reduce_sum3A_38 = vector.multi_reduction <add>, %exp3A, %reduce_sum3A [1] : vector<128x2048xf32> to vector<128xf32>
    %broadcast_in_dim3A_39 = vector.shape_cast %reduce_sum3A_38 : vector<128xf32> to vector<128x1xf32>
    %div3A = arith.constant 1.000000e+00 : f32
    %div3A_40 = vector.broadcast %div3A : f32 to vector<128x1xf32>
    %div3A_41 = arith.divf %div3A_40, %broadcast_in_dim3A_39 : vector<128x1xf32>
    %mul3A_42 = vector.broadcast %div3A_41 : vector<128x1xf32> to vector<128x2048xf32>
    %mul3A_43 = arith.mulf %exp3A, %mul3A_42 : vector<128x2048xf32>
    %convert_element_type3A_44 = arith.truncf %mul3A_43 : vector<128x2048xf32> to vector<128x2048xbf16>
    %get3A_45 = arith.constant 0 : index
    %get3A_46 = arith.constant 0 : index
    %get3A_47 = arith.constant 0 : index
    %get3A_48 = vector.load %arg5[%get3A_45, %get3A_46, %get3A_47] : memref<1x2048x128xbf16, #tpu.memory_space<vmem>>, vector<1x2048x128xbf16>
    %get3A_49 = vector.shape_cast %get3A_48 : vector<1x2048x128xbf16> to vector<2048x128xbf16>
    %dot_general3A_50 = arith.constant dense<0.000000e+00> : vector<128x128xf32>
    %dot_general3A_51 = tpu.matmul %convert_element_type3A_44, %get3A_49, %dot_general3A_50 {dimension_numbers = #tpu.dot_dimension_numbers<[1], [0], [0], [1], [0, 0, 1, 1], [], []>, transpose_lhs_hint = false} : vector<128x2048xbf16>, vector<2048x128xbf16>, vector<128x128xf32> -> vector<128x128xf32>
    %mul3A_52 = arith.constant 128 : i32
    %mul3A_53 = arith.muli %add3A_0, %mul3A_52 : i32
    %iota3A_54 = tpu.iota {dimensions = array<i32: 0>} : vector<128x128xi32>
    %add3A_55 = vector.broadcast %mul3A_53 : i32 to vector<128x128xi32>
    %add3A_56 = arith.addi %add3A_55, %iota3A_54 : vector<128x128xi32>
    %get3A_57 = arith.constant 0 : index
    %get3A_58 = arith.constant 0 : index
    %get3A_59 = arith.constant 0 : index
    %get3A_60 = vector.load %arg9[%get3A_57, %get3A_58, %get3A_59] : memref<1x1x128xi32, #tpu.memory_space<vmem>>, vector<1x1x128xi32>
    %get3A_61 = vector.shape_cast %get3A_60 : vector<1x1x128xi32> to vector<1x128xi32>
    %lt3A = vector.broadcast %get3A_61 : vector<1x128xi32> to vector<128x128xi32>
    %lt3A_62 = arith.cmpi slt, %add3A_56, %lt3A : vector<128x128xi32>
    %get3A_63 = arith.constant 0 : index
    %get3A_64 = arith.constant 0 : index
    %get3A_65 = arith.constant 0 : index
    %get3A_66 = vector.load %arg8[%get3A_63, %get3A_64, %get3A_65] : memref<1x1x128xf32, #tpu.memory_space<vmem>>, vector<1x1x128xf32>
    %get3A_67 = vector.shape_cast %get3A_66 : vector<1x1x128xf32> to vector<1x128xf32>
    %broadcast_in_dim3A_68 = vector.shape_cast %get3A_67 : vector<1x128xf32> to vector<1x128xf32>
    %broadcast_in_dim3A_69 = vector.broadcast %broadcast_in_dim3A_68 : vector<1x128xf32> to vector<128x128xf32>
    %select_n3A_70 = arith.select %lt3A_62, %broadcast_in_dim3A_69, %dot_general3A_51 : vector<128x128xi1>, vector<128x128xf32>
    %swap3A = arith.constant 0 : index
    %swap3A_71 = arith.constant 0 : index
    %swap3A_72 = arith.constant 0 : index
    %swap3A_73 = vector.load %arg10[%swap3A, %swap3A_71, %swap3A_72] : memref<1x128x128xf32, #tpu.memory_space<vmem>>, vector<1x128x128xf32>
    %swap3A_74 = vector.shape_cast %swap3A_73 : vector<1x128x128xf32> to vector<128x128xf32>
    %swap3A_75 = vector.shape_cast %select_n3A_70 : vector<128x128xf32> to vector<1x128x128xf32>
    tpu.vector_store %arg10[%swap3A, %swap3A_71, %swap3A_72], %swap3A_75 {strides = array<i32>} : memref<1x128x128xf32, #tpu.memory_space<vmem>>, vector<1x128x128xf32>,
    return
  }
  func.func @transform_0(%arg0: i32, %arg1: i32) -> (i32, i32, i32) {
    %add3A = arith.constant 8 : i32
    %add3A_0 = arith.addi %add3A, %arg1 : i32
    %c0_i32 = arith.constant 0 : i32
    %c0_i32_1 = arith.constant 0 : i32
    return %arg0, %add3A_0, %c0_i32 : i32, i32, i32
  }
  func.func @transform_1(%arg0: i32, %arg1: i32) -> (i32, i32, i32) {
    %add3A = arith.constant 8 : i32
    %add3A_0 = arith.addi %add3A, %arg1 : i32
    %c0_i32 = arith.constant 0 : i32
    %c0_i32_1 = arith.constant 0 : i32
    return %arg0, %add3A_0, %c0_i32 : i32, i32, i32
  }
  func.func @transform_2(%arg0: i32, %arg1: i32) -> (i32, i32, i32) {
    %c0_i32 = arith.constant 0 : i32
    %c0_i32_0 = arith.constant 0 : i32
    %c0_i32_1 = arith.constant 0 : i32
    return %arg0, %c0_i32, %c0_i32_0 : i32, i32, i32
  }
  func.func @transform_3(%arg0: i32, %arg1: i32) -> (i32, i32, i32) {
    %c0_i32 = arith.constant 0 : i32
    %c0_i32_0 = arith.constant 0 : i32
    %c0_i32_1 = arith.constant 0 : i32
    return %arg0, %c0_i32, %c0_i32_0 : i32, i32, i32
  }
  func.func @transform_4(%arg0: i32, %arg1: i32) -> (i32, i32, i32) {
    %c0_i32 = arith.constant 0 : i32
    %c0_i32_0 = arith.constant 0 : i32
    %c0_i32_1 = arith.constant 0 : i32
    return %arg0, %c0_i32, %c0_i32_0 : i32, i32, i32
  }
  func.func @transform_5(%arg0: i32, %arg1: i32) -> (i32, i32, i32) {
    %c0_i32 = arith.constant 0 : i32
    %c0_i32_0 = arith.constant 0 : i32
    %c0_i32_1 = arith.constant 0 : i32
    return %arg0, %c0_i32, %c0_i32_0 : i32, i32, i32
  }
  func.func @transform_6(%arg0: i32, %arg1: i32) -> (i32, i32, i32) {
    %c0_i32 = arith.constant 0 : i32
    %c0_i32_0 = arith.constant 0 : i32
    %c0_i32_1 = arith.constant 0 : i32
    return %arg0, %c0_i32, %c0_i32_0 : i32, i32, i32
  }
  func.func @transform_7(%arg0: i32, %arg1: i32) -> (i32, i32, i32) {
    %c0_i32 = arith.constant 0 : i32
    %c0_i32_0 = arith.constant 0 : i32
    %c0_i32_1 = arith.constant 0 : i32
    return %arg0, %c0_i32, %c0_i32_0 : i32, i32, i32
  }
  func.func @transform_8(%arg0: i32, %arg1: i32) -> (i32, i32, i32) {
    %add3A = arith.constant 8 : i32
    %add3A_0 = arith.addi %add3A, %arg1 : i32
    %c0_i32 = arith.constant 0 : i32
    %c0_i32_1 = arith.constant 0 : i32
    return %arg0, %add3A_0, %c0_i32 : i32, i32, i32
  }
}

</mosaic_0001>

<sc_bundles>
// kernel: kernel.5.cloned.1.call-start
scs
__scs_entry_jumppad:
0x0: {  	(pc) =	sbr.rel $0x88, $3  }
0x1: {  	(tag) =	ssettag $0x0;
	lr =	simm.s32 $0x1  }
0x2: {  	[smem:$0x3F9E] =	sst lr;
	_ =	strace $0xD0000000  }
0x3: {  	_ = 	snop  }
0x4: {  	_ = 	snop  }
0x5: {  	_ = 	snop  }
0x6: {  	_ = 	snop  }
0x7: {  	_ = 	snop  }
__scs_overlays_trampoline_lowered:
0x8: {  	[smem:$0x3FAD] =	sst s0  }
0x9: {  	[smem:$0x3FAE] =	sst s1  }
0xa: {  	[smem:$0x3FAF] =	sst s2  }
0xb: {  	[smem:$0x3FB0] =	sst s3  }
0xc: {  	[smem:$0x3FB1] =	sst s4  }
0xd: {  	[smem:$0x3FB2] =	sst s5  }
0xe: {  	[smem:$0x3FB3] =	sst s6  }
0xf: {  	[smem:$0x3FB4] =	sst s7  }
0x10: {  	[smem:$0x3FB5] =	sst s8  }
0x11: {  	[smem:$0x3FB6] =	sst s9;
	s0 =	simm.s32 @!p0 $0x0  }
0x12: {  	s1 =	sld [smem:$0x3F9C];
	s0 =	simm.s32 @p0 $0x1  }
0x13: {  	[smem:$0x3FB7] =	sst s0;
	s0 =	simm.s32 @!p1 $0x0  }
0x14: {  	s2 =	sld [smem:$0x3F9B];
	s0 =	simm.s32 @p1 $0x1  }
0x15: {  	[smem:$0x3FB8] =	sst s0;
	s0 =	simm.s32 @!p2 $0x0  }
0x16: {  	s3 =	sld [smem:$0x3FDB];
	s0 =	simm.s32 @p2 $0x1  }
0x17: {  	s4 =	simm.s32 $0x1BF5;
	[smem:$0x3FBA] =	sst s0  }
0x18: {  	s0 =	sld [smem:$0x3F9D];
	_ =	swait.ge [sflag:s4], $0x0  }
0x19: {  	s7 =	sld [smem:$0x3F9E]  }
0x1a: {  	s8 =	sadd.s32 $0xFFFFE003, lr  }
0x1b: {  	s9 =	sadd.s32 $0xFFFFFEF7, lr;
	s5 =	simm.s32 $0xFFFFFFFF;
	p2 =	slt.u32 s8, $0xFFFFF086  }
0x1c: {  	p1 =	slt.u32 s9, $0xF7A;
	s5 =	simm.s32 @!p2 $0x0  }
0x1d: {  	s5 =	simm.s32 @p1 $0x1;
	p0 =	seq.s32 s7, s2  }
0x1e: {  	s7 =	smul.u32 @!p0 $0xF7A, s2;
	p2 =	seq.s32 @!p0 s5, $0x0  }
0x1f: {  	s9 =	smul.u32 $0xF7A, s1;
	s8 =	simm.s32 @!p0 $0x1BF5;
	p2 =	por !p2, p0  }
0x20: {  	[sflag:s8] =	ssyncset.s32 @!p0 $0xFFFFF086;
	s6 =	sadd.s32 @!p0 s3, s7;
	s7 =	simm.s32 @!p0 $0x108  }
0x21: {  	s3 =	sadd.s32 s3, s9;
	s6 =	sadd.s32 @!p0 $0x88, s6;
	s7 =	simm.s32 @p2 $0x1082  }
0x22: {  	[simem:s7], [sflag:s8] =	dma.local @!p0 [hbm:s6], $0xF7A  }
0x23: {  	s9 =	sor.u32 $0xD0000000, s2;
	s6 =	simm.s32 $0x108;
	_ =	swait.ge @!p0 [sflag:s8], $0x0  }
0x24: {  	s3 =	sadd.s32 $0x88, s3;
	s6 =	simm.s32 @!p1 $0x1082;
	[sflag:s4] =	ssyncset.s32 $0xFFFFF086  }
0x25: {  	[simem:s6], [sflag:s4] =	dma.local [hbm:s3], $0xF7A  }
0x26: {  	[smem:$0x3F9E] =	sst s1;
	(tag) =	ssettag s2;
	_ =	strace s9  }
0x27: {  	s1 =	sld [smem:$0x3FAE]  }
0x28: {  	s2 =	sld [smem:$0x3FAF]  }
0x29: {  	s4 =	sld [smem:$0x3FB1]  }
0x2a: {  	p0 =	seq.s32 s5, $0x0;
	s5 =	sld [smem:$0x3FB2]  }
0x2b: {  	s6 =	sld [smem:$0x3FB3]  }
0x2c: {  	s7 =	sld [smem:$0x3FB4]  }
0x2d: {  	s3 =	simm.s32 $0x108;
	s8 =	sld [smem:$0x3FB5]  }
0x2e: {  	s3 =	simm.s32 @!p0 $0x1082;
	s9 =	sld [smem:$0x3FB6]  }
0x2f: {  	lr =	sadd.s32 s0, s3;
	s0 =	sld [smem:$0x3FAD]  }
0x30: {  	s3 =	sld [smem:$0x3FB0]  }
0x31: {  	[smem:$0x3FB9] =	sst s10  }
0x32: {  	s10 =	sld [smem:$0x3FB7];
	_ =	sdelay $0x3  }
0x33: {  	p0 =	seq.s32 s10, $0x1;
	s10 =	sld [smem:$0x3FB9];
	_ =	sdelay $0x3  }
0x34: {  	[smem:$0x3FB9] =	sst s10  }
0x35: {  	s10 =	sld [smem:$0x3FB8];
	_ =	sdelay $0x3  }
0x36: {  	p1 =	seq.s32 s10, $0x1;
	s10 =	sld [smem:$0x3FB9];
	_ =	sdelay $0x3  }
0x37: {  	[smem:$0x3FB9] =	sst s10  }
0x38: {  	s10 =	sld [smem:$0x3FBA]  }
0x39: {  	_ = 	snop;
	(pc) =	sbr.ind lr, $3  }
0x3a: {  	_ = 	snop  }
0x3b: {  	_ = 	snop  }
0x3c: {  	p2 =	seq.s32 s10, $0x1;
	s10 =	sld [smem:$0x3FB9]  }
0x3d: {  	_ =	shalt  }
0x3e: {  	_ =	shalt  }
0x3f: {  	_ =	shalt  }
0x40: {  	_ =	shalt  }
0x41: {  	_ =	shalt  }
0x42: {  	_ =	shalt  }
0x43: {  	_ =	shalt  }
0x44: {  	_ =	shalt  }
0x45: {  	_ =	shalt  }
0x46: {  	_ =	shalt  }
0x47: {  	_ =	shalt  }
0x48: {  	_ =	shalt  }
0x49: {  	_ =	shalt  }
0x4a: {  	_ =	shalt  }
0x4b: {  	_ =	shalt  }
0x4c: {  	_ =	shalt  }
0x4d: {  	_ =	shalt  }
0x4e: {  	_ =	shalt  }
0x4f: {  	_ =	shalt  }
0x50: {  	_ =	shalt  }
0x51: {  	_ =	shalt  }
0x52: {  	_ =	shalt  }
0x53: {  	_ =	shalt  }
0x54: {  	_ =	shalt  }
0x55: {  	_ =	shalt  }
0x56: {  	_ =	shalt  }
0x57: {  	_ =	shalt  }
0x58: {  	_ =	shalt  }
0x59: {  	_ =	shalt  }
0x5a: {  	_ =	shalt  }
0x5b: {  	_ =	shalt  }
0x5c: {  	_ =	shalt  }
0x5d: {  	_ =	shalt  }
0x5e: {  	_ =	shalt  }
0x5f: {  	_ =	shalt  }
0x60: {  	_ =	shalt  }
0x61: {  	_ =	shalt  }
0x62: {  	_ =	shalt  }
0x63: {  	_ =	shalt  }
0x64: {  	_ =	shalt  }
0x65: {  	_ =	shalt  }
0x66: {  	_ =	shalt  }
0x67: {  	_ =	shalt  }
0x68: {  	_ =	shalt  }
0x69: {  	_ =	shalt  }
0x6a: {  	_ =	shalt  }
0x6b: {  	_ =	shalt  }
0x6c: {  	_ =	shalt  }
0x6d: {  	_ =	shalt  }
0x6e: {  	_ =	shalt  }
0x6f: {  	_ =	shalt  }
0x70: {  	_ =	shalt  }
0x71: {  	_ =	shalt  }
0x72: {  	_ =	shalt  }
0x73: {  	_ =	shalt  }
0x74: {  	_ =	shalt  }
0x75: {  	_ =	shalt  }
0x76: {  	_ =	shalt  }
0x77: {  	_ =	shalt  }
0x78: {  	_ =	shalt  }
0x79: {  	_ =	shalt  }
0x7a: {  	_ =	shalt  }
0x7b: {  	_ =	shalt  }
0x7c: {  	_ =	shalt  }
0x7d: {  	_ =	shalt  }
0x7e: {  	_ =	shalt  }
0x7f: {  	_ =	shalt  }
0x80: {  	_ =	shalt  }
0x81: {  	_ =	shalt  }
0x82: {  	_ =	shalt  }
0x83: {  	_ =	shalt  }
0x84: {  	_ =	shalt  }
0x85: {  	_ =	shalt  }
0x86: {  	_ =	shalt  }
0x87: {  	_ =	shalt  }
.Lfunc_end0:
.L_simem_size_0:
called_computation_lowered:
.L_overlay_start_0:
0x88: {  	s2 =	sld [smem:$0x3FD9]  }
0x89: {  	s3 =	sld [smem:$0x3FFE];
	_ =	sdelay $0x1  }
0x8a: {  	s1 =	srdreg.scid  }
0x8b: {  	s0 =	sand.u32 $0x1, s1  }
0x8c: {  	s17 =	sshll.u32 s0, $0xA;
	s2 =	sadd.s32 s3, s2  }
0x8d: {  	s2 =	sadd.s32 s2, s17  }
0x8e: {  	[smem:$0x3FC5] =	sst s2  }
0x8f: {  	_ = 	snop  }
0x90: {  	s2 =	sld [smem:$0x3FD0];
	(tm) =	ssettm $0x1  }
0x91: {  	s18 =	sld [smem:$0x3FFB];
	_ =	sdelay $0x3  }
0x92: {  	_ =	strace s18  }
0x93: {  	s3 =	sld [smem:$0x3FFC];
	_ =	sdelay $0x3  }
0x94: {  	_ =	strace s3  }
0x95: {  	s3 =	sld [smem:$0x3FFD];
	_ =	sdelay $0x3  }
0x96: {  	_ =	strace s3  }
0x97: {  	_ =	strace $0x8FFFFFFF  }
0x98: {  	s19 =	sld [smem:$0x3FDB];
	_ =	sdelay $0x1  }
0x99: {  	s4 =	simm.s32 $_scs_section_size  }
0x9a: {  	s5 =	simm.s32 $_size__tile_overlayer_lowered;
	s6 =	simm.s32 $_tile_overlayer_lowered  }
0x9b: {  	s22 =	simm.s32 $0x1BFF;
	s21 =	sshll.u32 s6, $0x1;
	s3 =	sadd.s32 s4, s19  }
0x9c: {  	s7 =	simm.s32 $0x0;
	s20 =	sshll.u32 s5, $0x1;
	s5 =	sadd.s32 s21, s3  }
0x9d: {  	[timem:s7], [sflag:s22] =	dma.local [hbm:s5], s20  }
0x9e: {  	_ =	swait.ge [sflag:s22], s20  }
0x9f: {  	s4 =	ssub.s32 $0x0, s20;
	[sflag:s22] =	ssyncset.done $0x0  }
0xa0: {  	[sflag:s22] =	ssyncadd.s32 s4;
	_ =	sdelay $0x1  }
0xa1: {  	s23 =	simm.s32 $0x1B8B  }
0xa2: {  	_ =	swait.ge [sflag:s23], $0x1  }
0xa3: {  	[sflag:s23] =	ssyncset.done $0x0  }
0xa4: {  	s25 =	simm.s32 $0x1B8E;
	s24 =	sld [smem:$0x3FFE];
	[sflag:s23] =	ssyncadd.s32 $0xFFFFFFFF  }
0xa5: {  	s26 =	simm.s32 $execute0_lowered;
	[smem:$0x3FD2] =	sst s25  }
0xa6: {  	s5 =	sshll.u32 s26, $0x1;
	_ =	strace $0x80000046;
	[dreg:$0x1] =	wrdreg $0xFFFFFFFF  }
0xa7: {  	s28 =	simm.s32 $_size_execute0_lowered;
	s3 =	sadd.s32 s3, s5;
	[dreg:$0x0] =	wrdreg $0x0  }
0xa8: {  	s5 =	sshll.u32 s28, $0x1;
	[dreg:$0x2] =	wrdreg s3  }
0xa9: {  	[dreg:$0x3] =	wrdreg s5  }
0xaa: {  	[dreg:$0x4] =	wrdreg $0xC0  }
0xab: {  	_ =	task [dreg:s7], $0x5FFFF  }
0xac: {  	[dreg:$0x1] =	wrdreg $0xFFFFFFFF  }
0xad: {  	[dreg:$0x0] =	wrdreg $0x60  }
0xae: {  	[dreg:$0x2] =	wrdreg s24  }
0xaf: {  	[dreg:$0x3] =	wrdreg s2  }
0xb0: {  	[dreg:$0x4] =	wrdreg $0x9  }
0xb1: {  	_ =	task.clear_ibuf [dreg:s7], $0x5FFFF;
	_ =	strace $0x90000046  }
0xb2: {  	s29 =	simm.s32 $0x9;
	_ =	strace $0x80000048  }
0xb3: {  	_ =	swait.ge [sflag:s29], $0x1  }
0xb4: {  	[sflag:s29] =	ssyncadd.s32 $0xFFFFFFFF  }
0xb5: {  	_ =	strace $0x90000048  }
0xb6: {  	_ =	sfence  }
0xb7: {  	s30 =	sld [smem:$0x0];
	_ =	sdelay $0x2  }
0xb8: {  	s31 =	sshll.u32 s1, $0xD;
	s1 =	sshrl.u32 s1, $0x2  }
0xb9: {  	s3 =	sand.u32 $0x4000, s31;
	s1 =	sadd.s32 s1, s30  }
0xba: {  	s0 =	sor.u32 s3, s0;
	s1 =	sshll.u32 s1, $0x11  }
0xbb: {  	s0 =	sor.u32 s1, s0  }
0xbc: {  	s0 =	sadd.s32 $0x8F2B, s0  }
0xbd: {  	[sflag:s0] =	ssyncadd.remote.s32 $0x1  }
0xbe: {  	_ =	sfence.sel $0xFFFF  }
0xbf: {  	[dreg:$0x0] =	wrdreg $0xFFFFFFFF;
	(pc) =	sbr.abs _section_cstart, $3  }
0xc0: {  	[dreg:$0x1] =	wrdreg $0xFFFFFFFF  }
0xc1: {  	_ =	task.clear_ibuf [dreg:s7], $0x2FFFF;
	_ =	strace $0x9FFFFFFF  }
0xc2: {  	(tm) =	ssettm $0x7FFFFFFF  }
0xc3: {  	_ =	shalt  }
tec
execute0_lowered:
.L_overlay_start_1:
0x0: {  	(tag) =	ssettag $0x1  }
0x1: {  	s4 =	rddreg [dreg:$0x0]  }
0x2: {  	s2 =	rddreg [dreg:$0x1]  }
0x3: {  	s0 =	rddreg [dreg:$0x2]  }
0x4: {  	s5 =	srdreg.scid;
	s1 =	stileid.u32  }
0x5: {  	s3 =	simm.s32 $0x0;
	s9 =	simm.s32 $0xA00;
	s5 =	sand.u32 $0x1, s5  }
0x6: {  	s6 =	sshll.u32 s1, $0x1;
	[smem:$0x7FF] =	sst s3;
	s7 =	ssub.s32 $0x2, s5  }
0x7: {  	s5 =	sor.u32 s5, s6;
	_ =	strace $0x80000047;
	s29 =	sshrl.u32 s7, $0x1  }
0x8: {  	s8 =	sshll.u32 s5, $0x6;
	s30 =	sshll.u32 s5, $0x8;
	s31 =	sshll.u32 s5, $0xB  }
0x9: {  	s6 =	ssub.s32 s7, s29;
	s4 =	sadd.s32 s4, s8;
	s5 =	sadd.s32 s2, s30  }
0xa: {  	v1 =	vimm.f32 $-1.000000000e+09;
	v2 =	vimm.f32 $0.0e+00;
	v0 =	vmov s31;
	s7 =	simm.s32 $0x1;
	s8 =	simm.s32 $0x200;
	s6 =	smax.u32 s6, $0x1  }
.LBB2_1:
0xb: {  	[tilespmem:s3], [sflag:$0x1] =	stream.linear.gather [hbm4b:s4+s3], $0x200, $0x38;
	[tilespmem:$0xC00] =	vst v63  }
0xc: {  	_ =	swait.ge [sflag:s7], $0x200  }
0xd: {  	[sflag:s7] =	ssyncset.done $0x0  }
0xe: {  	[sflag:s7] =	ssyncadd.s32 $0xFFFFFE00  }
0xf: {  	v3 =	vld [tilespmem:$0x0]  }
0x10: {  	[tilespmem:$0x200] =	vst v1  }
0x11: {  	[tilespmem:$0x210] =	vst v1  }
0x12: {  	[tilespmem:$0x220] =	vst v1  }
0x13: {  	[tilespmem:$0x230] =	vst v1  }
0x14: {  	[tilespmem:$0x240] =	vst v1;
	v3 =	vadd.s32 v0, v3  }
0x15: {  	[tilespmem:$0x0] =	vst v3;
	v3 =	vld [tilespmem:$0x10]  }
0x16: {  	[tilespmem:$0x250] =	vst v1  }
0x17: {  	[tilespmem:$0x260] =	vst v1  }
0x18: {  	[tilespmem:$0x270] =	vst v1  }
0x19: {  	[tilespmem:$0x280] =	vst v1  }
0x1a: {  	[tilespmem:$0x290] =	vst v1;
	v3 =	vadd.s32 v0, v3  }
0x1b: {  	[tilespmem:$0x10] =	vst v3;
	v3 =	vld [tilespmem:$0x20]  }
0x1c: {  	[tilespmem:$0x2A0] =	vst v1  }
0x1d: {  	[tilespmem:$0x2B0] =	vst v1  }
0x1e: {  	[tilespmem:$0x2C0] =	vst v1  }
0x1f: {  	[tilespmem:$0x2D0] =	vst v1  }
0x20: {  	[tilespmem:$0x2E0] =	vst v1;
	v3 =	vadd.s32 v0, v3  }
0x21: {  	[tilespmem:$0x20] =	vst v3;
	v3 =	vld [tilespmem:$0x30]  }
0x22: {  	[tilespmem:$0x2F0] =	vst v1  }
0x23: {  	[tilespmem:$0x300] =	vst v1  }
0x24: {  	[tilespmem:$0x310] =	vst v1  }
0x25: {  	[tilespmem:$0x320] =	vst v1  }
0x26: {  	[tilespmem:$0x330] =	vst v1;
	v3 =	vadd.s32 v0, v3  }
0x27: {  	[tilespmem:$0x30] =	vst v3;
	v3 =	vld [tilespmem:$0x40]  }
0x28: {  	[tilespmem:$0x340] =	vst v1  }
0x29: {  	[tilespmem:$0x350] =	vst v1  }
0x2a: {  	[tilespmem:$0x360] =	vst v1  }
0x2b: {  	[tilespmem:$0x370] =	vst v1  }
0x2c: {  	[tilespmem:$0x380] =	vst v1;
	v3 =	vadd.s32 v0, v3  }
0x2d: {  	[tilespmem:$0x40] =	vst v3;
	v3 =	vld [tilespmem:$0x50]  }
0x2e: {  	[tilespmem:$0x390] =	vst v1  }
0x2f: {  	[tilespmem:$0x3A0] =	vst v1  }
0x30: {  	[tilespmem:$0x3B0] =	vst v1  }
0x31: {  	[tilespmem:$0x3C0] =	vst v1  }
0x32: {  	[tilespmem:$0x3D0] =	vst v1;
	v3 =	vadd.s32 v0, v3  }
0x33: {  	[tilespmem:$0x50] =	vst v3;
	v3 =	vld [tilespmem:$0x60]  }
0x34: {  	[tilespmem:$0x3E0] =	vst v1  }
0x35: {  	[tilespmem:$0x3F0] =	vst v1  }
0x36: {  	[tilespmem:$0x400] =	vst v1  }
0x37: {  	[tilespmem:$0x410] =	vst v1  }
0x38: {  	[tilespmem:$0x420] =	vst v1;
	v3 =	vadd.s32 v0, v3  }
0x39: {  	[tilespmem:$0x60] =	vst v3;
	v3 =	vld [tilespmem:$0x70]  }
0x3a: {  	[tilespmem:$0x430] =	vst v1  }
0x3b: {  	[tilespmem:$0x440] =	vst v1  }
0x3c: {  	[tilespmem:$0x450] =	vst v1  }
0x3d: {  	[tilespmem:$0x460] =	vst v1  }
0x3e: {  	[tilespmem:$0x470] =	vst v1;
	v3 =	vadd.s32 v0, v3  }
0x3f: {  	[tilespmem:$0x70] =	vst v3;
	v3 =	vld [tilespmem:$0x80]  }
0x40: {  	[tilespmem:$0x480] =	vst v1  }
0x41: {  	[tilespmem:$0x490] =	vst v1  }
0x42: {  	[tilespmem:$0x4A0] =	vst v1  }
0x43: {  	[tilespmem:$0x4B0] =	vst v1  }
0x44: {  	[tilespmem:$0x4C0] =	vst v1;
	v3 =	vadd.s32 v0, v3  }
0x45: {  	[tilespmem:$0x80] =	vst v3;
	v3 =	vld [tilespmem:$0x90]  }
0x46: {  	[tilespmem:$0x4D0] =	vst v1  }
0x47: {  	[tilespmem:$0x4E0] =	vst v1  }
0x48: {  	[tilespmem:$0x4F0] =	vst v1  }
0x49: {  	[tilespmem:$0x500] =	vst v1  }
0x4a: {  	[tilespmem:$0x510] =	vst v1;
	v3 =	vadd.s32 v0, v3  }
0x4b: {  	[tilespmem:$0x90] =	vst v3;
	v3 =	vld [tilespmem:$0xA0]  }
0x4c: {  	[tilespmem:$0x520] =	vst v1  }
0x4d: {  	[tilespmem:$0x530] =	vst v1  }
0x4e: {  	[tilespmem:$0x540] =	vst v1  }
0x4f: {  	[tilespmem:$0x550] =	vst v1  }
0x50: {  	[tilespmem:$0x560] =	vst v1;
	v3 =	vadd.s32 v0, v3  }
0x51: {  	[tilespmem:$0xA0] =	vst v3;
	v3 =	vld [tilespmem:$0xB0]  }
0x52: {  	[tilespmem:$0x570] =	vst v1  }
0x53: {  	[tilespmem:$0x580] =	vst v1  }
0x54: {  	[tilespmem:$0x590] =	vst v1  }
0x55: {  	[tilespmem:$0x5A0] =	vst v1  }
0x56: {  	[tilespmem:$0x5B0] =	vst v1;
	v3 =	vadd.s32 v0, v3  }
0x57: {  	[tilespmem:$0xB0] =	vst v3;
	v3 =	vld [tilespmem:$0xC0]  }
0x58: {  	[tilespmem:$0x5C0] =	vst v1  }
0x59: {  	[tilespmem:$0x5D0] =	vst v1  }
0x5a: {  	[tilespmem:$0x5E0] =	vst v1  }
0x5b: {  	[tilespmem:$0x5F0] =	vst v1  }
0x5c: {  	[tilespmem:$0x600] =	vst v1;
	v3 =	vadd.s32 v0, v3  }
0x5d: {  	[tilespmem:$0xC0] =	vst v3;
	v3 =	vld [tilespmem:$0xD0]  }
0x5e: {  	[tilespmem:$0x610] =	vst v1  }
0x5f: {  	[tilespmem:$0x620] =	vst v1  }
0x60: {  	[tilespmem:$0x630] =	vst v1  }
0x61: {  	[tilespmem:$0x640] =	vst v1  }
0x62: {  	[tilespmem:$0x650] =	vst v1;
	v3 =	vadd.s32 v0, v3  }
0x63: {  	[tilespmem:$0xD0] =	vst v3;
	v3 =	vld [tilespmem:$0xE0]  }
0x64: {  	[tilespmem:$0x660] =	vst v1  }
0x65: {  	[tilespmem:$0x670] =	vst v1  }
0x66: {  	[tilespmem:$0x680] =	vst v1  }
0x67: {  	[tilespmem:$0x690] =	vst v1  }
0x68: {  	[tilespmem:$0x6A0] =	vst v1;
	v3 =	vadd.s32 v0, v3  }
0x69: {  	[tilespmem:$0xE0] =	vst v3;
	v3 =	vld [tilespmem:$0xF0]  }
0x6a: {  	[tilespmem:$0x6B0] =	vst v1  }
0x6b: {  	[tilespmem:$0x6C0] =	vst v1  }
0x6c: {  	[tilespmem:$0x6D0] =	vst v1  }
0x6d: {  	[tilespmem:$0x6E0] =	vst v1  }
0x6e: {  	[tilespmem:$0x6F0] =	vst v1;
	v3 =	vadd.s32 v0, v3  }
0x6f: {  	[tilespmem:$0xF0] =	vst v3;
	v3 =	vld [tilespmem:$0x100]  }
0x70: {  	[tilespmem:$0x700] =	vst v1  }
0x71: {  	[tilespmem:$0x710] =	vst v1  }
0x72: {  	[tilespmem:$0x720] =	vst v1  }
0x73: {  	[tilespmem:$0x730] =	vst v1  }
0x74: {  	[tilespmem:$0x740] =	vst v1;
	v3 =	vadd.s32 v0, v3  }
0x75: {  	[tilespmem:$0x100] =	vst v3;
	v3 =	vld [tilespmem:$0x110]  }
0x76: {  	[tilespmem:$0x750] =	vst v1  }
0x77: {  	[tilespmem:$0x760] =	vst v1  }
0x78: {  	[tilespmem:$0x770] =	vst v1  }
0x79: {  	[tilespmem:$0x780] =	vst v1  }
0x7a: {  	[tilespmem:$0x790] =	vst v1;
	v3 =	vadd.s32 v0, v3  }
0x7b: {  	[tilespmem:$0x110] =	vst v3;
	v3 =	vld [tilespmem:$0x120]  }
0x7c: {  	[tilespmem:$0x7A0] =	vst v1  }
0x7d: {  	[tilespmem:$0x7B0] =	vst v1  }
0x7e: {  	[tilespmem:$0x7C0] =	vst v1  }
0x7f: {  	[tilespmem:$0x7D0] =	vst v1  }
0x80: {  	[tilespmem:$0x7E0] =	vst v1;
	v3 =	vadd.s32 v0, v3  }
0x81: {  	[tilespmem:$0x120] =	vst v3;
	v3 =	vld [tilespmem:$0x130]  }
0x82: {  	[tilespmem:$0x7F0] =	vst v1  }
0x83: {  	[tilespmem:$0x800] =	vst v1  }
0x84: {  	[tilespmem:$0x810] =	vst v1  }
0x85: {  	[tilespmem:$0x820] =	vst v1  }
0x86: {  	[tilespmem:$0x830] =	vst v1;
	v3 =	vadd.s32 v0, v3  }
0x87: {  	[tilespmem:$0x130] =	vst v3;
	v3 =	vld [tilespmem:$0x140]  }
0x88: {  	[tilespmem:$0x840] =	vst v1  }
0x89: {  	[tilespmem:$0x850] =	vst v1  }
0x8a: {  	[tilespmem:$0x860] =	vst v1  }
0x8b: {  	[tilespmem:$0x870] =	vst v1  }
0x8c: {  	[tilespmem:$0x880] =	vst v1;
	v3 =	vadd.s32 v0, v3  }
0x8d: {  	[tilespmem:$0x140] =	vst v3;
	v3 =	vld [tilespmem:$0x150]  }
0x8e: {  	[tilespmem:$0x890] =	vst v1  }
0x8f: {  	[tilespmem:$0x8A0] =	vst v1  }
0x90: {  	[tilespmem:$0x8B0] =	vst v1  }
0x91: {  	[tilespmem:$0x8C0] =	vst v1  }
0x92: {  	[tilespmem:$0x8D0] =	vst v1;
	v3 =	vadd.s32 v0, v3  }
0x93: {  	[tilespmem:$0x150] =	vst v3;
	v3 =	vld [tilespmem:$0x160]  }
0x94: {  	[tilespmem:$0x8E0] =	vst v1  }
0x95: {  	[tilespmem:$0x8F0] =	vst v1  }
0x96: {  	[tilespmem:$0x900] =	vst v1  }
0x97: {  	[tilespmem:$0x910] =	vst v1  }
0x98: {  	[tilespmem:$0x920] =	vst v1;
	v3 =	vadd.s32 v0, v3  }
0x99: {  	[tilespmem:$0x160] =	vst v3;
	v3 =	vld [tilespmem:$0x170]  }
0x9a: {  	[tilespmem:$0x930] =	vst v1  }
0x9b: {  	[tilespmem:$0x940] =	vst v1  }
0x9c: {  	[tilespmem:$0x950] =	vst v1  }
0x9d: {  	[tilespmem:$0x960] =	vst v1  }
0x9e: {  	[tilespmem:$0x970] =	vst v1;
	v3 =	vadd.s32 v0, v3  }
0x9f: {  	[tilespmem:$0x170] =	vst v3;
	v3 =	vld [tilespmem:$0x180]  }
0xa0: {  	[tilespmem:$0x980] =	vst v1  }
0xa1: {  	[tilespmem:$0x990] =	vst v1  }
0xa2: {  	[tilespmem:$0x9A0] =	vst v1  }
0xa3: {  	[tilespmem:$0x9B0] =	vst v1  }
0xa4: {  	[tilespmem:$0x9C0] =	vst v1;
	v3 =	vadd.s32 v0, v3  }
0xa5: {  	[tilespmem:$0x180] =	vst v3;
	v3 =	vld [tilespmem:$0x190]  }
0xa6: {  	[tilespmem:$0x9D0] =	vst v1  }
0xa7: {  	[tilespmem:$0x9E0] =	vst v1  }
0xa8: {  	[tilespmem:$0x9F0] =	vst v1  }
0xa9: {  	[tilespmem:$0xA00] =	vst v2  }
0xaa: {  	[tilespmem:$0xA10] =	vst v2;
	v3 =	vadd.s32 v0, v3  }
0xab: {  	[tilespmem:$0x190] =	vst v3;
	v3 =	vld [tilespmem:$0x1A0]  }
0xac: {  	[tilespmem:$0xA20] =	vst v2  }
0xad: {  	[tilespmem:$0xA30] =	vst v2  }
0xae: {  	[tilespmem:$0xA40] =	vst v2  }
0xaf: {  	[tilespmem:$0xA50] =	vst v2  }
0xb0: {  	[tilespmem:$0xA60] =	vst v2;
	v3 =	vadd.s32 v0, v3  }
0xb1: {  	[tilespmem:$0x1A0] =	vst v3;
	v3 =	vld [tilespmem:$0x1B0]  }
0xb2: {  	[tilespmem:$0xA70] =	vst v2  }
0xb3: {  	[tilespmem:$0xA80] =	vst v2  }
0xb4: {  	[tilespmem:$0xA90] =	vst v2  }
0xb5: {  	[tilespmem:$0xAA0] =	vst v2  }
0xb6: {  	[tilespmem:$0xAB0] =	vst v2;
	v3 =	vadd.s32 v0, v3  }
0xb7: {  	[tilespmem:$0x1B0] =	vst v3;
	v3 =	vld [tilespmem:$0x1C0]  }
0xb8: {  	[tilespmem:$0xAC0] =	vst v2  }
0xb9: {  	[tilespmem:$0xAD0] =	vst v2  }
0xba: {  	[tilespmem:$0xAE0] =	vst v2  }
0xbb: {  	[tilespmem:$0xAF0] =	vst v2  }
0xbc: {  	[tilespmem:$0xB00] =	vst v2;
	v3 =	vadd.s32 v0, v3  }
0xbd: {  	[tilespmem:$0x1C0] =	vst v3;
	v3 =	vld [tilespmem:$0x1D0]  }
0xbe: {  	[tilespmem:$0xB10] =	vst v2  }
0xbf: {  	[tilespmem:$0xB20] =	vst v2  }
0xc0: {  	[tilespmem:$0xB30] =	vst v2  }
0xc1: {  	[tilespmem:$0xB40] =	vst v2  }
0xc2: {  	[tilespmem:$0xB50] =	vst v2;
	v3 =	vadd.s32 v0, v3  }
0xc3: {  	[tilespmem:$0x1D0] =	vst v3;
	v3 =	vld [tilespmem:$0x1E0]  }
0xc4: {  	[tilespmem:$0xB60] =	vst v2  }
0xc5: {  	[tilespmem:$0xB70] =	vst v2  }
0xc6: {  	[tilespmem:$0xB80] =	vst v2  }
0xc7: {  	[tilespmem:$0xB90] =	vst v2  }
0xc8: {  	[tilespmem:$0xBA0] =	vst v2;
	v3 =	vadd.s32 v0, v3  }
0xc9: {  	[tilespmem:$0x1E0] =	vst v3;
	v3 =	vld [tilespmem:$0x1F0]  }
0xca: {  	[tilespmem:$0xBB0] =	vst v2  }
0xcb: {  	[tilespmem:$0xBC0] =	vst v2  }
0xcc: {  	[tilespmem:$0xBD0] =	vst v2  }
0xcd: {  	[tilespmem:$0xBE0] =	vst v2  }
0xce: {  	[tilespmem:$0xBF0] =	vst v2;
	v3 =	vadd.s32 v0, v3  }
0xcf: {  	[tilespmem:$0x1F0] =	vst v3  }
0xd0: {  	[hbm4b:s5+s3] =	stream.linear.scatter [tilespmem:s8], [sflag:$0x1], $0x800, $0x38;
	[tilespmem:$0xC00] =	vst v63  }
0xd1: {  	_ =	swait.ge [sflag:s7], $0x800  }
0xd2: {  	p0 =	sne.s32 s6, $0x1;
	[sflag:s7] =	ssyncset.done $0x0  }
.Ltmp0:
0xd3: {  	[sflag:s7] =	ssyncadd.s32 $0xFFFFF800;
	(pc) =	sbr.rel @p0 .LBB2_1-.Ltmp0, $4  }
0xd4: {  	[hbm4b:s2+s8] =	stream.indirect.scatter [tilespmem:s9], [sflag:$0x1], $0x1, s3, s8, $0xb8;
	[tilespmem:$0xC00] =	vst v63  }
0xd5: {  	_ =	swait.ge [sflag:s7], $0x200  }
0xd6: {  	[sflag:s7] =	ssyncset.done $0x0  }
0xd7: {  	s6 =	sadd.s32 $0xFFFFFFFF, s6;
	[sflag:s7] =	ssyncadd.s32 $0xFFFFFE00  }
0xd8: {  	_ =	sfence.sel $0x180000  }
0xd9: {  	[bflag:$0x0] =	sbarrier.arrive $0xFFFF  }
0xda: {  	p0 =	sne.s32 s1, $0x0;
	_ =	strace $0x90000047  }
0xdb: {  	s0 =	sadd.s32 @!p0 $0x100000, s0;
	[bflag:$0x2] =	sbarrier.arrive $0xFFFF  }
0xdc: {  	[sflag:s0] =	ssyncadd.tile.s32 @!p0 $0x1;
	_ =	shalt  }
.Lfunc_end2:
_tile_overlayer_lowered:
.L_overlay_start_2:
0xdd: {  	(tag) =	ssettag $0x2  }
0xde: {  	s0 =	rddreg [dreg:$0x0];
	s2 =	stileid.u32  }
0xdf: {  	s1 =	rddreg [dreg:$0x1];
	p0 =	sne.s32 s2, $0x0  }
0xe0: {  	s3 =	rddreg [dreg:$0x2];
	[bflag:$0x3] =	sbarrier.arrive $0xFFFF;
	s2 =	simm.s32 @!p0 $0x1C01  }
0xe1: {  	[timem:s3], [sflag:s2] =	dma.local @!p0 [hbm:s0], s1  }
0xe2: {  	s0 =	simm.s32 @!p0 $0x1  }
0xe3: {  	_ =	swait.ge @!p0 [sflag:s0], s1  }
0xe4: {  	s1 =	ssub.s32 @!p0 $0x0, s1;
	[sflag:s0] =	ssyncset.done @!p0 $0x0  }
0xe5: {  	[sflag:s0] =	ssyncadd.s32 @!p0 s1  }
0xe6: {  	[bflag:$0x3] =	sbarrier.arrive $0xFFFF  }
0xe7: {  	_ =	shalt  }

</sc_bundles>
